<compile_context>
chip_gen: v7x
topology: tpu7x:2x2x1
jax: 0.10.2.dev20260603
libtpu: 0.0.44.dev20260713+nightly
codegen_flags: <defaults>
</compile_context>

<pallas_src>
import functools

import jax
import jax.numpy as jnp
from jax import lax
from jax.experimental import pallas as pl
from jax.experimental.pallas import tpu as pltpu
from jax.experimental.pallas import tpu_sc as plsc

EMB = 128
B_ROWS = 4096
SEQ = 50
NW = 32
ROWS_W = B_ROWS // NW
NBUF = 8
DEPTH = 4
NGRP = ROWS_W // NBUF

_mesh = plsc.VectorSubcoreMesh(core_axis_name="c", subcore_axis_name="s")


@functools.partial(
    pl.kernel,
    mesh=_mesh,
    compiler_params=pltpu.CompilerParams(use_tc_tiling_on_sc=True),
    out_type=jax.ShapeDtypeStruct((B_ROWS, SEQ, EMB), jnp.float32),
    scratch_types=[
        pltpu.VMEM((ROWS_W, SEQ), jnp.int32),
    ] + [pltpu.VMEM((SEQ, EMB), jnp.float32)] * NBUF
      + [pltpu.SemaphoreType.DMA] * (2 * NBUF),
)
def _emb_lookup(ctx_hbm, table_hbm, out_hbm, idx_v, *bs):
    wid = lax.axis_index("s") * 2 + lax.axis_index("c")
    r0 = wid * ROWS_W

    bufs = bs[:NBUF]
    gs = bs[NBUF:2 * NBUF]
    ws = bs[2 * NBUF:]

    pltpu.sync_copy(ctx_hbm.at[pl.ds(r0, ROWS_W)], idx_v)

    def gather(j, b):
        pltpu.async_copy(table_hbm.at[idx_v.at[j]], bufs[b], gs[b])

    def gather_wait(j, b):
        pltpu.make_async_copy(
            table_hbm.at[idx_v.at[j]], bufs[b], gs[b]
        ).wait()

    def write(j, b):
        pltpu.async_copy(bufs[b], out_hbm.at[r0 + j], ws[b])

    def write_wait(j, b):
        pltpu.make_async_copy(bufs[b], out_hbm.at[r0 + j], ws[b]).wait()

    for j in range(DEPTH):
        gather(j, j)

    def group(jj, carry):
        j0 = jj * NBUF
        for b in range(NBUF):
            j = j0 + b
            br = (b + DEPTH) % NBUF
            gather_wait(j, b)
            write(j, b)

            @pl.when(j + DEPTH >= NBUF)
            def _():
                write_wait(j + DEPTH - NBUF, br)

            @pl.when(j + DEPTH < ROWS_W)
            def _():
                gather(j + DEPTH, br)

        return carry

    lax.fori_loop(0, NGRP, group, 0)

    for j in range(ROWS_W - (NBUF - DEPTH), ROWS_W):
        write_wait(j, j % NBUF)


def _mask_body(ctx_ref, out_ref):
    out_ref[...] = jnp.sign(ctx_ref[...])


_mask = pl.pallas_call(
    _mask_body,
    out_shape=jax.ShapeDtypeStruct((B_ROWS, SEQ), jnp.int32),
)


def kernel(context, table):
    emb = _emb_lookup(context, table)
    return emb, _mask(context)

# --- scband reference (transcript-rebuilt; emitter-appended) ---
"""Pipeline reference for scband-glove-embedding-10608569221500 (READ-ONLY COPY).

The authoritative reference and input builder live on the scoring server;
editing this copy changes nothing except your own understanding.
"""

import jax, jax.numpy as jnp
import numpy as np

VOCAB = 100000
EMB = 128

def setup_inputs(seed: int = 0) -> dict:
    key = jax.random.key(seed)
    k1, k2 = jax.random.split(key)
    context = jax.random.randint(k1, (4096, 50), 0, VOCAB, dtype=jnp.int64 if jax.config.jax_enable_x64 else jnp.int32)
    table = jax.random.normal(k2, (VOCAB, EMB), dtype=jnp.float32) * 0.02
    return {"context": context, "table": table}

def reference(context, table):
    # context_emb = self.embedding(context)
    context_emb = jnp.take(table, context, axis=0)
    # context_mask = torch.sign(context)
    context_mask = jnp.sign(context)
    return (context_emb, context_mask)

if __name__ == "__main__":
    import jax
    _d = setup_inputs()
    print(jax.jit(kernel)(*tuple(_d.values())))

</pallas_src>

<mosaic_0001>
#map = affine_map<(d0, d1) -> (0, 0)>
#map1 = affine_map<(d0, d1) -> (0, 0, 0)>
module attributes {stable_mosaic.version = 14 : i64} {
  func.func @_emb_lookup(%arg0: i32, %arg1: i32, %arg2: memref<4096x50xi32, #tpu.memory_space<hbm>>, %arg3: memref<100000x128xf32, #tpu.memory_space<hbm>>, %arg4: memref<4096x50x128xf32, #tpu.memory_space<hbm>>, %arg5: memref<128x50xi32, #tpu.memory_space<vmem>>, %arg6: memref<50x128xf32, #tpu.memory_space<vmem>>, %arg7: memref<50x128xf32, #tpu.memory_space<vmem>>, %arg8: memref<50x128xf32, #tpu.memory_space<vmem>>, %arg9: memref<50x128xf32, #tpu.memory_space<vmem>>, %arg10: memref<50x128xf32, #tpu.memory_space<vmem>>, %arg11: memref<50x128xf32, #tpu.memory_space<vmem>>, %arg12: memref<50x128xf32, #tpu.memory_space<vmem>>, %arg13: memref<50x128xf32, #tpu.memory_space<vmem>>, %arg14: memref<!tpu.dma_semaphore, #tpu.memory_space<semaphore_mem>>, %arg15: memref<!tpu.dma_semaphore, #tpu.memory_space<semaphore_mem>>, %arg16: memref<!tpu.dma_semaphore, #tpu.memory_space<semaphore_mem>>, %arg17: memref<!tpu.dma_semaphore, #tpu.memory_space<semaphore_mem>>, %arg18: memref<!tpu.dma_semaphore, #tpu.memory_space<semaphore_mem>>, %arg19: memref<!tpu.dma_semaphore, #tpu.memory_space<semaphore_mem>>, %arg20: memref<!tpu.dma_semaphore, #tpu.memory_space<semaphore_mem>>, %arg21: memref<!tpu.dma_semaphore, #tpu.memory_space<semaphore_mem>>, %arg22: memref<!tpu.dma_semaphore, #tpu.memory_space<semaphore_mem>>, %arg23: memref<!tpu.dma_semaphore, #tpu.memory_space<semaphore_mem>>, %arg24: memref<!tpu.dma_semaphore, #tpu.memory_space<semaphore_mem>>, %arg25: memref<!tpu.dma_semaphore, #tpu.memory_space<semaphore_mem>>, %arg26: memref<!tpu.dma_semaphore, #tpu.memory_space<semaphore_mem>>, %arg27: memref<!tpu.dma_semaphore, #tpu.memory_space<semaphore_mem>>, %arg28: memref<!tpu.dma_semaphore, #tpu.memory_space<semaphore_mem>>, %arg29: memref<!tpu.dma_semaphore, #tpu.memory_space<semaphore_mem>>) attributes {dimension_semantics = [#tpu.dimension_semantics<core_parallel>, #tpu.dimension_semantics<subcore_parallel>], iteration_bounds = array<i64: 2, 16>, scalar_prefetch = 0 : i64, scratch_operands = 25 : i64, tpu.core_type = #tpu.core_type<sc_vector_subcore>, window_params = [{transform_indices = #map}, {transform_indices = #map}, {transform_indices = #map1}]} {
    %mul3A = arith.constant 2 : i32
    %mul3A_0 = arith.muli %arg1, %mul3A : i32
    %add3A = arith.addi %mul3A_0, %arg0 : i32
    %mul3A_1 = arith.constant 128 : i32
    %mul3A_2 = arith.muli %add3A, %mul3A_1 : i32
    "tpu.region"() ({
      %run_scoped3A = tpu.sem_alloc : memref<!tpu.dma_semaphore, #tpu.memory_space<semaphore_mem>>
      %dma_start3A_74 = arith.constant 0 : i32
      %dma_start3A_75 = tpu.memref_slice %arg2[%mul3A_2, %dma_start3A_74] : memref<4096x50xi32, #tpu.memory_space<hbm>> -> memref<128x50xi32, #tpu.memory_space<hbm>>
      %dma_start3A_76 = arith.constant 0 : i32
      %dma_start3A_77 = tpu.memref_slice %arg2[%mul3A_2, %dma_start3A_76] : memref<4096x50xi32, #tpu.memory_space<hbm>> -> memref<128x50xi32, #tpu.memory_space<hbm>>
      tpu.enqueue_dma source(%dma_start3A_77 : memref<128x50xi32, #tpu.memory_space<hbm>>) target(%arg5 : memref<128x50xi32, #tpu.memory_space<vmem>>) target_semaphore(%run_scoped3A : memref<!tpu.dma_semaphore, #tpu.memory_space<semaphore_mem>>)
      %dma_wait3A_78 = arith.constant 0 : i32
      %dma_wait3A_79 = tpu.memref_slice %arg2[%mul3A_2, %dma_wait3A_78] : memref<4096x50xi32, #tpu.memory_space<hbm>> -> memref<128x50xi32, #tpu.memory_space<hbm>>
      %dma_wait3A_80 = arith.constant 0 : i32
      %dma_wait3A_81 = tpu.memref_slice %arg2[%mul3A_2, %dma_wait3A_80] : memref<4096x50xi32, #tpu.memory_space<hbm>> -> memref<128x50xi32, #tpu.memory_space<hbm>>
      tpu.wait_dma2 semaphore(%run_scoped3A : memref<!tpu.dma_semaphore, #tpu.memory_space<semaphore_mem>>) src(%dma_wait3A_81 : memref<128x50xi32, #tpu.memory_space<hbm>>) dst(%arg5 : memref<128x50xi32, #tpu.memory_space<vmem>>)
      tpu.yield
    }) : () -> ()
    %dma_start3A = arith.constant 0 : i32
    %dma_start3A_3 = arith.constant 0 : i32
    %dma_start3A_4 = tpu.memref_slice %arg5[%dma_start3A, %dma_start3A_3] : memref<128x50xi32, #tpu.memory_space<vmem>> -> memref<1x50xi32, #tpu.memory_space<vmem>>
    %dma_start3A_5 = tpu.memref_squeeze %dma_start3A_4 : memref<1x50xi32, #tpu.memory_space<vmem>> -> memref<50xi32, #tpu.memory_space<vmem>>
    %dma_start3A_6 = arith.constant 0 : i32
    %dma_start3A_7 = arith.constant 0 : i32
    %dma_start3A_8 = tpu.memref_slice %arg3[%dma_start3A_6, %dma_start3A_7] : memref<100000x128xf32, #tpu.memory_space<hbm>> -> memref<100000x128xf32, #tpu.memory_space<hbm>>
    tpu.enqueue_indirect_dma source(%dma_start3A_8 : memref<100000x128xf32, #tpu.memory_space<hbm>>) target(%arg6 : memref<50x128xf32, #tpu.memory_space<vmem>>) offsets(%dma_start3A_5 : memref<50xi32, #tpu.memory_space<vmem>>) semaphore(%arg14 : memref<!tpu.dma_semaphore, #tpu.memory_space<semaphore_mem>>)
    %dma_start3A_9 = arith.constant 1 : i32
    %dma_start3A_10 = arith.constant 0 : i32
    %dma_start3A_11 = tpu.memref_slice %arg5[%dma_start3A_9, %dma_start3A_10] : memref<128x50xi32, #tpu.memory_space<vmem>> -> memref<1x50xi32, #tpu.memory_space<vmem>>
    %dma_start3A_12 = tpu.memref_squeeze %dma_start3A_11 : memref<1x50xi32, #tpu.memory_space<vmem>> -> memref<50xi32, #tpu.memory_space<vmem>>
    %dma_start3A_13 = arith.constant 0 : i32
    %dma_start3A_14 = arith.constant 0 : i32
    %dma_start3A_15 = tpu.memref_slice %arg3[%dma_start3A_13, %dma_start3A_14] : memref<100000x128xf32, #tpu.memory_space<hbm>> -> memref<100000x128xf32, #tpu.memory_space<hbm>>
    tpu.enqueue_indirect_dma source(%dma_start3A_15 : memref<100000x128xf32, #tpu.memory_space<hbm>>) target(%arg7 : memref<50x128xf32, #tpu.memory_space<vmem>>) offsets(%dma_start3A_12 : memref<50xi32, #tpu.memory_space<vmem>>) semaphore(%arg15 : memref<!tpu.dma_semaphore, #tpu.memory_space<semaphore_mem>>)
    %dma_start3A_16 = arith.constant 2 : i32
    %dma_start3A_17 = arith.constant 0 : i32
    %dma_start3A_18 = tpu.memref_slice %arg5[%dma_start3A_16, %dma_start3A_17] : memref<128x50xi32, #tpu.memory_space<vmem>> -> memref<1x50xi32, #tpu.memory_space<vmem>>
    %dma_start3A_19 = tpu.memref_squeeze %dma_start3A_18 : memref<1x50xi32, #tpu.memory_space<vmem>> -> memref<50xi32, #tpu.memory_space<vmem>>
    %dma_start3A_20 = arith.constant 0 : i32
    %dma_start3A_21 = arith.constant 0 : i32
    %dma_start3A_22 = tpu.memref_slice %arg3[%dma_start3A_20, %dma_start3A_21] : memref<100000x128xf32, #tpu.memory_space<hbm>> -> memref<100000x128xf32, #tpu.memory_space<hbm>>
    tpu.enqueue_indirect_dma source(%dma_start3A_22 : memref<100000x128xf32, #tpu.memory_space<hbm>>) target(%arg8 : memref<50x128xf32, #tpu.memory_space<vmem>>) offsets(%dma_start3A_19 : memref<50xi32, #tpu.memory_space<vmem>>) semaphore(%arg16 : memref<!tpu.dma_semaphore, #tpu.memory_space<semaphore_mem>>)
    %dma_start3A_23 = arith.constant 3 : i32
    %dma_start3A_24 = arith.constant 0 : i32
    %dma_start3A_25 = tpu.memref_slice %arg5[%dma_start3A_23, %dma_start3A_24] : memref<128x50xi32, #tpu.memory_space<vmem>> -> memref<1x50xi32, #tpu.memory_space<vmem>>
    %dma_start3A_26 = tpu.memref_squeeze %dma_start3A_25 : memref<1x50xi32, #tpu.memory_space<vmem>> -> memref<50xi32, #tpu.memory_space<vmem>>
    %dma_start3A_27 = arith.constant 0 : i32
    %dma_start3A_28 = arith.constant 0 : i32
    %dma_start3A_29 = tpu.memref_slice %arg3[%dma_start3A_27, %dma_start3A_28] : memref<100000x128xf32, #tpu.memory_space<hbm>> -> memref<100000x128xf32, #tpu.memory_space<hbm>>
    tpu.enqueue_indirect_dma source(%dma_start3A_29 : memref<100000x128xf32, #tpu.memory_space<hbm>>) target(%arg9 : memref<50x128xf32, #tpu.memory_space<vmem>>) offsets(%dma_start3A_26 : memref<50xi32, #tpu.memory_space<vmem>>) semaphore(%arg17 : memref<!tpu.dma_semaphore, #tpu.memory_space<semaphore_mem>>)
    %scan3A = arith.constant 0 : i32
    %scan3A_30 = arith.constant 0 : i32
    %scan3A_31 = arith.constant 16 : i32
    %scan3A_32 = arith.addi %scan3A_30, %scan3A_31 : i32
    %scan3A_33 = arith.constant 1 : i32
    scf.for %scan3A_74 = %scan3A_30 to %scan3A_32 step %scan3A_33  : i32 {
      %mul3A_75 = arith.constant 8 : i32
      %mul3A_76 = arith.muli %scan3A_74, %mul3A_75 : i32
      %add3A_77 = arith.constant 0 : i32
      %add3A_78 = arith.addi %mul3A_76, %add3A_77 : i32
      %dma_wait3A_79 = arith.constant 0 : i32
      %dma_wait3A_80 = tpu.memref_slice %arg5[%add3A_78, %dma_wait3A_79] : memref<128x50xi32, #tpu.memory_space<vmem>> -> memref<1x50xi32, #tpu.memory_space<vmem>>
      %dma_wait3A_81 = tpu.memref_squeeze %dma_wait3A_80 : memref<1x50xi32, #tpu.memory_space<vmem>> -> memref<50xi32, #tpu.memory_space<vmem>>
      %dma_wait3A_82 = arith.constant 0 : i32
      %dma_wait3A_83 = arith.constant 0 : i32
      %dma_wait3A_84 = tpu.memref_slice %arg3[%dma_wait3A_82, %dma_wait3A_83] : memref<100000x128xf32, #tpu.memory_space<hbm>> -> memref<100000x128xf32, #tpu.memory_space<hbm>>
      tpu.wait_indirect_dma semaphore(%arg14 : memref<!tpu.dma_semaphore, #tpu.memory_space<semaphore_mem>>) src(%dma_wait3A_84 : memref<100000x128xf32, #tpu.memory_space<hbm>>) dst(%arg6 : memref<50x128xf32, #tpu.memory_space<vmem>>)
      %add3A_85 = arith.addi %mul3A_2, %add3A_78 : i32
      %dma_start3A_86 = arith.constant 0 : i32
      %dma_start3A_87 = arith.constant 0 : i32
      %dma_start3A_88 = tpu.memref_slice %arg4[%add3A_85, %dma_start3A_86, %dma_start3A_87] : memref<4096x50x128xf32, #tpu.memory_space<hbm>> -> memref<1x50x128xf32, #tpu.memory_space<hbm>>
      %dma_start3A_89 = tpu.memref_squeeze %dma_start3A_88 : memref<1x50x128xf32, #tpu.memory_space<hbm>> -> memref<50x128xf32, #tpu.memory_space<hbm>>
      %dma_start3A_90 = arith.constant 0 : i32
      %dma_start3A_91 = arith.constant 0 : i32
      %dma_start3A_92 = tpu.memref_slice %arg4[%add3A_85, %dma_start3A_90, %dma_start3A_91] : memref<4096x50x128xf32, #tpu.memory_space<hbm>> -> memref<1x50x128xf32, #tpu.memory_space<hbm>>
      %dma_start3A_93 = tpu.memref_squeeze %dma_start3A_92 : memref<1x50x128xf32, #tpu.memory_space<hbm>> -> memref<50x128xf32, #tpu.memory_space<hbm>>
      tpu.enqueue_dma source(%arg6 : memref<50x128xf32, #tpu.memory_space<vmem>>) target(%dma_start3A_93 : memref<50x128xf32, #tpu.memory_space<hbm>>) target_semaphore(%arg22 : memref<!tpu.dma_semaphore, #tpu.memory_space<semaphore_mem>>)
      %add3A_94 = arith.constant 4 : i32
      %add3A_95 = arith.addi %add3A_78, %add3A_94 : i32
      %ge3A = arith.constant 8 : i32
      %ge3A_96 = arith.cmpi sge, %add3A_95, %ge3A : i32
      %convert_element_type3A = arith.extui %ge3A_96 : i1 to i32
      %cond3A = arith.constant 0 : i32
      %cond3A_97 = arith.cmpi ne, %convert_element_type3A, %cond3A : i32
      scf.if %cond3A_97 {
        %add3A_321 = arith.constant 4 : i32
        %add3A_322 = arith.addi %add3A_78, %add3A_321 : i32
        %sub3A = arith.constant 8 : i32
        %sub3A_323 = arith.subi %add3A_322, %sub3A : i32
        %add3A_324 = arith.addi %mul3A_2, %sub3A_323 : i32
        %dma_wait3A_325 = arith.constant 0 : i32
        %dma_wait3A_326 = arith.constant 0 : i32
        %dma_wait3A_327 = tpu.memref_slice %arg4[%add3A_324, %dma_wait3A_325, %dma_wait3A_326] : memref<4096x50x128xf32, #tpu.memory_space<hbm>> -> memref<1x50x128xf32, #tpu.memory_space<hbm>>
        %dma_wait3A_328 = tpu.memref_squeeze %dma_wait3A_327 : memref<1x50x128xf32, #tpu.memory_space<hbm>> -> memref<50x128xf32, #tpu.memory_space<hbm>>
        %dma_wait3A_329 = arith.constant 0 : i32
        %dma_wait3A_330 = arith.constant 0 : i32
        %dma_wait3A_331 = tpu.memref_slice %arg4[%add3A_324, %dma_wait3A_329, %dma_wait3A_330] : memref<4096x50x128xf32, #tpu.memory_space<hbm>> -> memref<1x50x128xf32, #tpu.memory_space<hbm>>
        %dma_wait3A_332 = tpu.memref_squeeze %dma_wait3A_331 : memref<1x50x128xf32, #tpu.memory_space<hbm>> -> memref<50x128xf32, #tpu.memory_space<hbm>>
        tpu.wait_dma2 semaphore(%arg26 : memref<!tpu.dma_semaphore, #tpu.memory_space<semaphore_mem>>) src(%arg10 : memref<50x128xf32, #tpu.memory_space<vmem>>) dst(%dma_wait3A_332 : memref<50x128xf32, #tpu.memory_space<hbm>>)
      } else {
      }
      %add3A_98 = arith.constant 4 : i32
      %add3A_99 = arith.addi %add3A_78, %add3A_98 : i32
      %lt3A = arith.constant 128 : i32
      %lt3A_100 = arith.cmpi slt, %add3A_99, %lt3A : i32
      %convert_element_type3A_101 = arith.extui %lt3A_100 : i1 to i32
      %cond3A_102 = arith.constant 0 : i32
      %cond3A_103 = arith.cmpi ne, %convert_element_type3A_101, %cond3A_102 : i32
      scf.if %cond3A_103 {
        %add3A_321 = arith.constant 4 : i32
        %add3A_322 = arith.addi %add3A_78, %add3A_321 : i32
        %dma_start3A_323 = arith.constant 0 : i32
        %dma_start3A_324 = tpu.memref_slice %arg5[%add3A_322, %dma_start3A_323] : memref<128x50xi32, #tpu.memory_space<vmem>> -> memref<1x50xi32, #tpu.memory_space<vmem>>
        %dma_start3A_325 = tpu.memref_squeeze %dma_start3A_324 : memref<1x50xi32, #tpu.memory_space<vmem>> -> memref<50xi32, #tpu.memory_space<vmem>>
        %dma_start3A_326 = arith.constant 0 : i32
        %dma_start3A_327 = arith.constant 0 : i32
        %dma_start3A_328 = tpu.memref_slice %arg3[%dma_start3A_326, %dma_start3A_327] : memref<100000x128xf32, #tpu.memory_space<hbm>> -> memref<100000x128xf32, #tpu.memory_space<hbm>>
        tpu.enqueue_indirect_dma source(%dma_start3A_328 : memref<100000x128xf32, #tpu.memory_space<hbm>>) target(%arg10 : memref<50x128xf32, #tpu.memory_space<vmem>>) offsets(%dma_start3A_325 : memref<50xi32, #tpu.memory_space<vmem>>) semaphore(%arg18 : memref<!tpu.dma_semaphore, #tpu.memory_space<semaphore_mem>>)
      } else {
      }
      %add3A_104 = arith.constant 1 : i32
      %add3A_105 = arith.addi %mul3A_76, %add3A_104 : i32
      %dma_wait3A_106 = arith.constant 0 : i32
      %dma_wait3A_107 = tpu.memref_slice %arg5[%add3A_105, %dma_wait3A_106] : memref<128x50xi32, #tpu.memory_space<vmem>> -> memref<1x50xi32, #tpu.memory_space<vmem>>
      %dma_wait3A_108 = tpu.memref_squeeze %dma_wait3A_107 : memref<1x50xi32, #tpu.memory_space<vmem>> -> memref<50xi32, #tpu.memory_space<vmem>>
      %dma_wait3A_109 = arith.constant 0 : i32
      %dma_wait3A_110 = arith.constant 0 : i32
      %dma_wait3A_111 = tpu.memref_slice %arg3[%dma_wait3A_109, %dma_wait3A_110] : memref<100000x128xf32, #tpu.memory_space<hbm>> -> memref<100000x128xf32, #tpu.memory_space<hbm>>
      tpu.wait_indirect_dma semaphore(%arg15 : memref<!tpu.dma_semaphore, #tpu.memory_space<semaphore_mem>>) src(%dma_wait3A_111 : memref<100000x128xf32, #tpu.memory_space<hbm>>) dst(%arg7 : memref<50x128xf32, #tpu.memory_space<vmem>>)
      %add3A_112 = arith.addi %mul3A_2, %add3A_105 : i32
      %dma_start3A_113 = arith.constant 0 : i32
      %dma_start3A_114 = arith.constant 0 : i32
      %dma_start3A_115 = tpu.memref_slice %arg4[%add3A_112, %dma_start3A_113, %dma_start3A_114] : memref<4096x50x128xf32, #tpu.memory_space<hbm>> -> memref<1x50x128xf32, #tpu.memory_space<hbm>>
      %dma_start3A_116 = tpu.memref_squeeze %dma_start3A_115 : memref<1x50x128xf32, #tpu.memory_space<hbm>> -> memref<50x128xf32, #tpu.memory_space<hbm>>
      %dma_start3A_117 = arith.constant 0 : i32
      %dma_start3A_118 = arith.constant 0 : i32
      %dma_start3A_119 = tpu.memref_slice %arg4[%add3A_112, %dma_start3A_117, %dma_start3A_118] : memref<4096x50x128xf32, #tpu.memory_space<hbm>> -> memref<1x50x128xf32, #tpu.memory_space<hbm>>
      %dma_start3A_120 = tpu.memref_squeeze %dma_start3A_119 : memref<1x50x128xf32, #tpu.memory_space<hbm>> -> memref<50x128xf32, #tpu.memory_space<hbm>>
      tpu.enqueue_dma source(%arg7 : memref<50x128xf32, #tpu.memory_space<vmem>>) target(%dma_start3A_120 : memref<50x128xf32, #tpu.memory_space<hbm>>) target_semaphore(%arg23 : memref<!tpu.dma_semaphore, #tpu.memory_space<semaphore_mem>>)
      %add3A_121 = arith.constant 4 : i32
      %add3A_122 = arith.addi %add3A_105, %add3A_121 : i32
      %ge3A_123 = arith.constant 8 : i32
      %ge3A_124 = arith.cmpi sge, %add3A_122, %ge3A_123 : i32
      %convert_element_type3A_125 = arith.extui %ge3A_124 : i1 to i32
      %cond3A_126 = arith.constant 0 : i32
      %cond3A_127 = arith.cmpi ne, %convert_element_type3A_125, %cond3A_126 : i32
      scf.if %cond3A_127 {
        %add3A_321 = arith.constant 4 : i32
        %add3A_322 = arith.addi %add3A_105, %add3A_321 : i32
        %sub3A = arith.constant 8 : i32
        %sub3A_323 = arith.subi %add3A_322, %sub3A : i32
        %add3A_324 = arith.addi %mul3A_2, %sub3A_323 : i32
        %dma_wait3A_325 = arith.constant 0 : i32
        %dma_wait3A_326 = arith.constant 0 : i32
        %dma_wait3A_327 = tpu.memref_slice %arg4[%add3A_324, %dma_wait3A_325, %dma_wait3A_326] : memref<4096x50x128xf32, #tpu.memory_space<hbm>> -> memref<1x50x128xf32, #tpu.memory_space<hbm>>
        %dma_wait3A_328 = tpu.memref_squeeze %dma_wait3A_327 : memref<1x50x128xf32, #tpu.memory_space<hbm>> -> memref<50x128xf32, #tpu.memory_space<hbm>>
        %dma_wait3A_329 = arith.constant 0 : i32
        %dma_wait3A_330 = arith.constant 0 : i32
        %dma_wait3A_331 = tpu.memref_slice %arg4[%add3A_324, %dma_wait3A_329, %dma_wait3A_330] : memref<4096x50x128xf32, #tpu.memory_space<hbm>> -> memref<1x50x128xf32, #tpu.memory_space<hbm>>
        %dma_wait3A_332 = tpu.memref_squeeze %dma_wait3A_331 : memref<1x50x128xf32, #tpu.memory_space<hbm>> -> memref<50x128xf32, #tpu.memory_space<hbm>>
        tpu.wait_dma2 semaphore(%arg27 : memref<!tpu.dma_semaphore, #tpu.memory_space<semaphore_mem>>) src(%arg11 : memref<50x128xf32, #tpu.memory_space<vmem>>) dst(%dma_wait3A_332 : memref<50x128xf32, #tpu.memory_space<hbm>>)
      } else {
      }
      %add3A_128 = arith.constant 4 : i32
      %add3A_129 = arith.addi %add3A_105, %add3A_128 : i32
      %lt3A_130 = arith.constant 128 : i32
      %lt3A_131 = arith.cmpi slt, %add3A_129, %lt3A_130 : i32
      %convert_element_type3A_132 = arith.extui %lt3A_131 : i1 to i32
      %cond3A_133 = arith.constant 0 : i32
      %cond3A_134 = arith.cmpi ne, %convert_element_type3A_132, %cond3A_133 : i32
      scf.if %cond3A_134 {
        %add3A_321 = arith.constant 4 : i32
        %add3A_322 = arith.addi %add3A_105, %add3A_321 : i32
        %dma_start3A_323 = arith.constant 0 : i32
        %dma_start3A_324 = tpu.memref_slice %arg5[%add3A_322, %dma_start3A_323] : memref<128x50xi32, #tpu.memory_space<vmem>> -> memref<1x50xi32, #tpu.memory_space<vmem>>
        %dma_start3A_325 = tpu.memref_squeeze %dma_start3A_324 : memref<1x50xi32, #tpu.memory_space<vmem>> -> memref<50xi32, #tpu.memory_space<vmem>>
        %dma_start3A_326 = arith.constant 0 : i32
        %dma_start3A_327 = arith.constant 0 : i32
        %dma_start3A_328 = tpu.memref_slice %arg3[%dma_start3A_326, %dma_start3A_327] : memref<100000x128xf32, #tpu.memory_space<hbm>> -> memref<100000x128xf32, #tpu.memory_space<hbm>>
        tpu.enqueue_indirect_dma source(%dma_start3A_328 : memref<100000x128xf32, #tpu.memory_space<hbm>>) target(%arg11 : memref<50x128xf32, #tpu.memory_space<vmem>>) offsets(%dma_start3A_325 : memref<50xi32, #tpu.memory_space<vmem>>) semaphore(%arg19 : memref<!tpu.dma_semaphore, #tpu.memory_space<semaphore_mem>>)
      } else {
      }
      %add3A_135 = arith.constant 2 : i32
      %add3A_136 = arith.addi %mul3A_76, %add3A_135 : i32
      %dma_wait3A_137 = arith.constant 0 : i32
      %dma_wait3A_138 = tpu.memref_slice %arg5[%add3A_136, %dma_wait3A_137] : memref<128x50xi32, #tpu.memory_space<vmem>> -> memref<1x50xi32, #tpu.memory_space<vmem>>
      %dma_wait3A_139 = tpu.memref_squeeze %dma_wait3A_138 : memref<1x50xi32, #tpu.memory_space<vmem>> -> memref<50xi32, #tpu.memory_space<vmem>>
      %dma_wait3A_140 = arith.constant 0 : i32
      %dma_wait3A_141 = arith.constant 0 : i32
      %dma_wait3A_142 = tpu.memref_slice %arg3[%dma_wait3A_140, %dma_wait3A_141] : memref<100000x128xf32, #tpu.memory_space<hbm>> -> memref<100000x128xf32, #tpu.memory_space<hbm>>
      tpu.wait_indirect_dma semaphore(%arg16 : memref<!tpu.dma_semaphore, #tpu.memory_space<semaphore_mem>>) src(%dma_wait3A_142 : memref<100000x128xf32, #tpu.memory_space<hbm>>) dst(%arg8 : memref<50x128xf32, #tpu.memory_space<vmem>>)
      %add3A_143 = arith.addi %mul3A_2, %add3A_136 : i32
      %dma_start3A_144 = arith.constant 0 : i32
      %dma_start3A_145 = arith.constant 0 : i32
      %dma_start3A_146 = tpu.memref_slice %arg4[%add3A_143, %dma_start3A_144, %dma_start3A_145] : memref<4096x50x128xf32, #tpu.memory_space<hbm>> -> memref<1x50x128xf32, #tpu.memory_space<hbm>>
      %dma_start3A_147 = tpu.memref_squeeze %dma_start3A_146 : memref<1x50x128xf32, #tpu.memory_space<hbm>> -> memref<50x128xf32, #tpu.memory_space<hbm>>
      %dma_start3A_148 = arith.constant 0 : i32
      %dma_start3A_149 = arith.constant 0 : i32
      %dma_start3A_150 = tpu.memref_slice %arg4[%add3A_143, %dma_start3A_148, %dma_start3A_149] : memref<4096x50x128xf32, #tpu.memory_space<hbm>> -> memref<1x50x128xf32, #tpu.memory_space<hbm>>
      %dma_start3A_151 = tpu.memref_squeeze %dma_start3A_150 : memref<1x50x128xf32, #tpu.memory_space<hbm>> -> memref<50x128xf32, #tpu.memory_space<hbm>>
      tpu.enqueue_dma source(%arg8 : memref<50x128xf32, #tpu.memory_space<vmem>>) target(%dma_start3A_151 : memref<50x128xf32, #tpu.memory_space<hbm>>) target_semaphore(%arg24 : memref<!tpu.dma_semaphore, #tpu.memory_space<semaphore_mem>>)
      %add3A_152 = arith.constant 4 : i32
      %add3A_153 = arith.addi %add3A_136, %add3A_152 : i32
      %ge3A_154 = arith.constant 8 : i32
      %ge3A_155 = arith.cmpi sge, %add3A_153, %ge3A_154 : i32
      %convert_element_type3A_156 = arith.extui %ge3A_155 : i1 to i32
      %cond3A_157 = arith.constant 0 : i32
      %cond3A_158 = arith.cmpi ne, %convert_element_type3A_156, %cond3A_157 : i32
      scf.if %cond3A_158 {
        %add3A_321 = arith.constant 4 : i32
        %add3A_322 = arith.addi %add3A_136, %add3A_321 : i32
        %sub3A = arith.constant 8 : i32
        %sub3A_323 = arith.subi %add3A_322, %sub3A : i32
        %add3A_324 = arith.addi %mul3A_2, %sub3A_323 : i32
        %dma_wait3A_325 = arith.constant 0 : i32
        %dma_wait3A_326 = arith.constant 0 : i32
        %dma_wait3A_327 = tpu.memref_slice %arg4[%add3A_324, %dma_wait3A_325, %dma_wait3A_326] : memref<4096x50x128xf32, #tpu.memory_space<hbm>> -> memref<1x50x128xf32, #tpu.memory_space<hbm>>
        %dma_wait3A_328 = tpu.memref_squeeze %dma_wait3A_327 : memref<1x50x128xf32, #tpu.memory_space<hbm>> -> memref<50x128xf32, #tpu.memory_space<hbm>>
        %dma_wait3A_329 = arith.constant 0 : i32
        %dma_wait3A_330 = arith.constant 0 : i32
        %dma_wait3A_331 = tpu.memref_slice %arg4[%add3A_324, %dma_wait3A_329, %dma_wait3A_330] : memref<4096x50x128xf32, #tpu.memory_space<hbm>> -> memref<1x50x128xf32, #tpu.memory_space<hbm>>
        %dma_wait3A_332 = tpu.memref_squeeze %dma_wait3A_331 : memref<1x50x128xf32, #tpu.memory_space<hbm>> -> memref<50x128xf32, #tpu.memory_space<hbm>>
        tpu.wait_dma2 semaphore(%arg28 : memref<!tpu.dma_semaphore, #tpu.memory_space<semaphore_mem>>) src(%arg12 : memref<50x128xf32, #tpu.memory_space<vmem>>) dst(%dma_wait3A_332 : memref<50x128xf32, #tpu.memory_space<hbm>>)
      } else {
      }
      %add3A_159 = arith.constant 4 : i32
      %add3A_160 = arith.addi %add3A_136, %add3A_159 : i32
      %lt3A_161 = arith.constant 128 : i32
      %lt3A_162 = arith.cmpi slt, %add3A_160, %lt3A_161 : i32
      %convert_element_type3A_163 = arith.extui %lt3A_162 : i1 to i32
      %cond3A_164 = arith.constant 0 : i32
      %cond3A_165 = arith.cmpi ne, %convert_element_type3A_163, %cond3A_164 : i32
      scf.if %cond3A_165 {
        %add3A_321 = arith.constant 4 : i32
        %add3A_322 = arith.addi %add3A_136, %add3A_321 : i32
        %dma_start3A_323 = arith.constant 0 : i32
        %dma_start3A_324 = tpu.memref_slice %arg5[%add3A_322, %dma_start3A_323] : memref<128x50xi32, #tpu.memory_space<vmem>> -> memref<1x50xi32, #tpu.memory_space<vmem>>
        %dma_start3A_325 = tpu.memref_squeeze %dma_start3A_324 : memref<1x50xi32, #tpu.memory_space<vmem>> -> memref<50xi32, #tpu.memory_space<vmem>>
        %dma_start3A_326 = arith.constant 0 : i32
        %dma_start3A_327 = arith.constant 0 : i32
        %dma_start3A_328 = tpu.memref_slice %arg3[%dma_start3A_326, %dma_start3A_327] : memref<100000x128xf32, #tpu.memory_space<hbm>> -> memref<100000x128xf32, #tpu.memory_space<hbm>>
        tpu.enqueue_indirect_dma source(%dma_start3A_328 : memref<100000x128xf32, #tpu.memory_space<hbm>>) target(%arg12 : memref<50x128xf32, #tpu.memory_space<vmem>>) offsets(%dma_start3A_325 : memref<50xi32, #tpu.memory_space<vmem>>) semaphore(%arg20 : memref<!tpu.dma_semaphore, #tpu.memory_space<semaphore_mem>>)
      } else {
      }
      %add3A_166 = arith.constant 3 : i32
      %add3A_167 = arith.addi %mul3A_76, %add3A_166 : i32
      %dma_wait3A_168 = arith.constant 0 : i32
      %dma_wait3A_169 = tpu.memref_slice %arg5[%add3A_167, %dma_wait3A_168] : memref<128x50xi32, #tpu.memory_space<vmem>> -> memref<1x50xi32, #tpu.memory_space<vmem>>
      %dma_wait3A_170 = tpu.memref_squeeze %dma_wait3A_169 : memref<1x50xi32, #tpu.memory_space<vmem>> -> memref<50xi32, #tpu.memory_space<vmem>>
      %dma_wait3A_171 = arith.constant 0 : i32
      %dma_wait3A_172 = arith.constant 0 : i32
      %dma_wait3A_173 = tpu.memref_slice %arg3[%dma_wait3A_171, %dma_wait3A_172] : memref<100000x128xf32, #tpu.memory_space<hbm>> -> memref<100000x128xf32, #tpu.memory_space<hbm>>
      tpu.wait_indirect_dma semaphore(%arg17 : memref<!tpu.dma_semaphore, #tpu.memory_space<semaphore_mem>>) src(%dma_wait3A_173 : memref<100000x128xf32, #tpu.memory_space<hbm>>) dst(%arg9 : memref<50x128xf32, #tpu.memory_space<vmem>>)
      %add3A_174 = arith.addi %mul3A_2, %add3A_167 : i32
      %dma_start3A_175 = arith.constant 0 : i32
      %dma_start3A_176 = arith.constant 0 : i32
      %dma_start3A_177 = tpu.memref_slice %arg4[%add3A_174, %dma_start3A_175, %dma_start3A_176] : memref<4096x50x128xf32, #tpu.memory_space<hbm>> -> memref<1x50x128xf32, #tpu.memory_space<hbm>>
      %dma_start3A_178 = tpu.memref_squeeze %dma_start3A_177 : memref<1x50x128xf32, #tpu.memory_space<hbm>> -> memref<50x128xf32, #tpu.memory_space<hbm>>
      %dma_start3A_179 = arith.constant 0 : i32
      %dma_start3A_180 = arith.constant 0 : i32
      %dma_start3A_181 = tpu.memref_slice %arg4[%add3A_174, %dma_start3A_179, %dma_start3A_180] : memref<4096x50x128xf32, #tpu.memory_space<hbm>> -> memref<1x50x128xf32, #tpu.memory_space<hbm>>
      %dma_start3A_182 = tpu.memref_squeeze %dma_start3A_181 : memref<1x50x128xf32, #tpu.memory_space<hbm>> -> memref<50x128xf32, #tpu.memory_space<hbm>>
      tpu.enqueue_dma source(%arg9 : memref<50x128xf32, #tpu.memory_space<vmem>>) target(%dma_start3A_182 : memref<50x128xf32, #tpu.memory_space<hbm>>) target_semaphore(%arg25 : memref<!tpu.dma_semaphore, #tpu.memory_space<semaphore_mem>>)
      %add3A_183 = arith.constant 4 : i32
      %add3A_184 = arith.addi %add3A_167, %add3A_183 : i32
      %ge3A_185 = arith.constant 8 : i32
      %ge3A_186 = arith.cmpi sge, %add3A_184, %ge3A_185 : i32
      %convert_element_type3A_187 = arith.extui %ge3A_186 : i1 to i32
      %cond3A_188 = arith.constant 0 : i32
      %cond3A_189 = arith.cmpi ne, %convert_element_type3A_187, %cond3A_188 : i32
      scf.if %cond3A_189 {
        %add3A_321 = arith.constant 4 : i32
        %add3A_322 = arith.addi %add3A_167, %add3A_321 : i32
        %sub3A = arith.constant 8 : i32
        %sub3A_323 = arith.subi %add3A_322, %sub3A : i32
        %add3A_324 = arith.addi %mul3A_2, %sub3A_323 : i32
        %dma_wait3A_325 = arith.constant 0 : i32
        %dma_wait3A_326 = arith.constant 0 : i32
        %dma_wait3A_327 = tpu.memref_slice %arg4[%add3A_324, %dma_wait3A_325, %dma_wait3A_326] : memref<4096x50x128xf32, #tpu.memory_space<hbm>> -> memref<1x50x128xf32, #tpu.memory_space<hbm>>
        %dma_wait3A_328 = tpu.memref_squeeze %dma_wait3A_327 : memref<1x50x128xf32, #tpu.memory_space<hbm>> -> memref<50x128xf32, #tpu.memory_space<hbm>>
        %dma_wait3A_329 = arith.constant 0 : i32
        %dma_wait3A_330 = arith.constant 0 : i32
        %dma_wait3A_331 = tpu.memref_slice %arg4[%add3A_324, %dma_wait3A_329, %dma_wait3A_330] : memref<4096x50x128xf32, #tpu.memory_space<hbm>> -> memref<1x50x128xf32, #tpu.memory_space<hbm>>
        %dma_wait3A_332 = tpu.memref_squeeze %dma_wait3A_331 : memref<1x50x128xf32, #tpu.memory_space<hbm>> -> memref<50x128xf32, #tpu.memory_space<hbm>>
        tpu.wait_dma2 semaphore(%arg29 : memref<!tpu.dma_semaphore, #tpu.memory_space<semaphore_mem>>) src(%arg13 : memref<50x128xf32, #tpu.memory_space<vmem>>) dst(%dma_wait3A_332 : memref<50x128xf32, #tpu.memory_space<hbm>>)
      } else {
      }
      %add3A_190 = arith.constant 4 : i32
      %add3A_191 = arith.addi %add3A_167, %add3A_190 : i32
      %lt3A_192 = arith.constant 128 : i32
      %lt3A_193 = arith.cmpi slt, %add3A_191, %lt3A_192 : i32
      %convert_element_type3A_194 = arith.extui %lt3A_193 : i1 to i32
      %cond3A_195 = arith.constant 0 : i32
      %cond3A_196 = arith.cmpi ne, %convert_element_type3A_194, %cond3A_195 : i32
      scf.if %cond3A_196 {
        %add3A_321 = arith.constant 4 : i32
        %add3A_322 = arith.addi %add3A_167, %add3A_321 : i32
        %dma_start3A_323 = arith.constant 0 : i32
        %dma_start3A_324 = tpu.memref_slice %arg5[%add3A_322, %dma_start3A_323] : memref<128x50xi32, #tpu.memory_space<vmem>> -> memref<1x50xi32, #tpu.memory_space<vmem>>
        %dma_start3A_325 = tpu.memref_squeeze %dma_start3A_324 : memref<1x50xi32, #tpu.memory_space<vmem>> -> memref<50xi32, #tpu.memory_space<vmem>>
        %dma_start3A_326 = arith.constant 0 : i32
        %dma_start3A_327 = arith.constant 0 : i32
        %dma_start3A_328 = tpu.memref_slice %arg3[%dma_start3A_326, %dma_start3A_327] : memref<100000x128xf32, #tpu.memory_space<hbm>> -> memref<100000x128xf32, #tpu.memory_space<hbm>>
        tpu.enqueue_indirect_dma source(%dma_start3A_328 : memref<100000x128xf32, #tpu.memory_space<hbm>>) target(%arg13 : memref<50x128xf32, #tpu.memory_space<vmem>>) offsets(%dma_start3A_325 : memref<50xi32, #tpu.memory_space<vmem>>) semaphore(%arg21 : memref<!tpu.dma_semaphore, #tpu.memory_space<semaphore_mem>>)
      } else {
      }
      %add3A_197 = arith.constant 4 : i32
      %add3A_198 = arith.addi %mul3A_76, %add3A_197 : i32
      %dma_wait3A_199 = arith.constant 0 : i32
      %dma_wait3A_200 = tpu.memref_slice %arg5[%add3A_198, %dma_wait3A_199] : memref<128x50xi32, #tpu.memory_space<vmem>> -> memref<1x50xi32, #tpu.memory_space<vmem>>
      %dma_wait3A_201 = tpu.memref_squeeze %dma_wait3A_200 : memref<1x50xi32, #tpu.memory_space<vmem>> -> memref<50xi32, #tpu.memory_space<vmem>>
      %dma_wait3A_202 = arith.constant 0 : i32
      %dma_wait3A_203 = arith.constant 0 : i32
      %dma_wait3A_204 = tpu.memref_slice %arg3[%dma_wait3A_202, %dma_wait3A_203] : memref<100000x128xf32, #tpu.memory_space<hbm>> -> memref<100000x128xf32, #tpu.memory_space<hbm>>
      tpu.wait_indirect_dma semaphore(%arg18 : memref<!tpu.dma_semaphore, #tpu.memory_space<semaphore_mem>>) src(%dma_wait3A_204 : memref<100000x128xf32, #tpu.memory_space<hbm>>) dst(%arg10 : memref<50x128xf32, #tpu.memory_space<vmem>>)
      %add3A_205 = arith.addi %mul3A_2, %add3A_198 : i32
      %dma_start3A_206 = arith.constant 0 : i32
      %dma_start3A_207 = arith.constant 0 : i32
      %dma_start3A_208 = tpu.memref_slice %arg4[%add3A_205, %dma_start3A_206, %dma_start3A_207] : memref<4096x50x128xf32, #tpu.memory_space<hbm>> -> memref<1x50x128xf32, #tpu.memory_space<hbm>>
      %dma_start3A_209 = tpu.memref_squeeze %dma_start3A_208 : memref<1x50x128xf32, #tpu.memory_space<hbm>> -> memref<50x128xf32, #tpu.memory_space<hbm>>
      %dma_start3A_210 = arith.constant 0 : i32
      %dma_start3A_211 = arith.constant 0 : i32
      %dma_start3A_212 = tpu.memref_slice %arg4[%add3A_205, %dma_start3A_210, %dma_start3A_211] : memref<4096x50x128xf32, #tpu.memory_space<hbm>> -> memref<1x50x128xf32, #tpu.memory_space<hbm>>
      %dma_start3A_213 = tpu.memref_squeeze %dma_start3A_212 : memref<1x50x128xf32, #tpu.memory_space<hbm>> -> memref<50x128xf32, #tpu.memory_space<hbm>>
      tpu.enqueue_dma source(%arg10 : memref<50x128xf32, #tpu.memory_space<vmem>>) target(%dma_start3A_213 : memref<50x128xf32, #tpu.memory_space<hbm>>) target_semaphore(%arg26 : memref<!tpu.dma_semaphore, #tpu.memory_space<semaphore_mem>>)
      %add3A_214 = arith.constant 4 : i32
      %add3A_215 = arith.addi %add3A_198, %add3A_214 : i32
      %ge3A_216 = arith.constant 8 : i32
      %ge3A_217 = arith.cmpi sge, %add3A_215, %ge3A_216 : i32
      %convert_element_type3A_218 = arith.extui %ge3A_217 : i1 to i32
      %cond3A_219 = arith.constant 0 : i32
      %cond3A_220 = arith.cmpi ne, %convert_element_type3A_218, %cond3A_219 : i32
      scf.if %cond3A_220 {
        %add3A_321 = arith.constant 4 : i32
        %add3A_322 = arith.addi %add3A_198, %add3A_321 : i32
        %sub3A = arith.constant 8 : i32
        %sub3A_323 = arith.subi %add3A_322, %sub3A : i32
        %add3A_324 = arith.addi %mul3A_2, %sub3A_323 : i32
        %dma_wait3A_325 = arith.constant 0 : i32
        %dma_wait3A_326 = arith.constant 0 : i32
        %dma_wait3A_327 = tpu.memref_slice %arg4[%add3A_324, %dma_wait3A_325, %dma_wait3A_326] : memref<4096x50x128xf32, #tpu.memory_space<hbm>> -> memref<1x50x128xf32, #tpu.memory_space<hbm>>
        %dma_wait3A_328 = tpu.memref_squeeze %dma_wait3A_327 : memref<1x50x128xf32, #tpu.memory_space<hbm>> -> memref<50x128xf32, #tpu.memory_space<hbm>>
        %dma_wait3A_329 = arith.constant 0 : i32
        %dma_wait3A_330 = arith.constant 0 : i32
        %dma_wait3A_331 = tpu.memref_slice %arg4[%add3A_324, %dma_wait3A_329, %dma_wait3A_330] : memref<4096x50x128xf32, #tpu.memory_space<hbm>> -> memref<1x50x128xf32, #tpu.memory_space<hbm>>
        %dma_wait3A_332 = tpu.memref_squeeze %dma_wait3A_331 : memref<1x50x128xf32, #tpu.memory_space<hbm>> -> memref<50x128xf32, #tpu.memory_space<hbm>>
        tpu.wait_dma2 semaphore(%arg22 : memref<!tpu.dma_semaphore, #tpu.memory_space<semaphore_mem>>) src(%arg6 : memref<50x128xf32, #tpu.memory_space<vmem>>) dst(%dma_wait3A_332 : memref<50x128xf32, #tpu.memory_space<hbm>>)
      } else {
      }
      %add3A_221 = arith.constant 4 : i32
      %add3A_222 = arith.addi %add3A_198, %add3A_221 : i32
      %lt3A_223 = arith.constant 128 : i32
      %lt3A_224 = arith.cmpi slt, %add3A_222, %lt3A_223 : i32
      %convert_element_type3A_225 = arith.extui %lt3A_224 : i1 to i32
      %cond3A_226 = arith.constant 0 : i32
      %cond3A_227 = arith.cmpi ne, %convert_element_type3A_225, %cond3A_226 : i32
      scf.if %cond3A_227 {
        %add3A_321 = arith.constant 4 : i32
        %add3A_322 = arith.addi %add3A_198, %add3A_321 : i32
        %dma_start3A_323 = arith.constant 0 : i32
        %dma_start3A_324 = tpu.memref_slice %arg5[%add3A_322, %dma_start3A_323] : memref<128x50xi32, #tpu.memory_space<vmem>> -> memref<1x50xi32, #tpu.memory_space<vmem>>
        %dma_start3A_325 = tpu.memref_squeeze %dma_start3A_324 : memref<1x50xi32, #tpu.memory_space<vmem>> -> memref<50xi32, #tpu.memory_space<vmem>>
        %dma_start3A_326 = arith.constant 0 : i32
        %dma_start3A_327 = arith.constant 0 : i32
        %dma_start3A_328 = tpu.memref_slice %arg3[%dma_start3A_326, %dma_start3A_327] : memref<100000x128xf32, #tpu.memory_space<hbm>> -> memref<100000x128xf32, #tpu.memory_space<hbm>>
        tpu.enqueue_indirect_dma source(%dma_start3A_328 : memref<100000x128xf32, #tpu.memory_space<hbm>>) target(%arg6 : memref<50x128xf32, #tpu.memory_space<vmem>>) offsets(%dma_start3A_325 : memref<50xi32, #tpu.memory_space<vmem>>) semaphore(%arg14 : memref<!tpu.dma_semaphore, #tpu.memory_space<semaphore_mem>>)
      } else {
      }
      %add3A_228 = arith.constant 5 : i32
      %add3A_229 = arith.addi %mul3A_76, %add3A_228 : i32
      %dma_wait3A_230 = arith.constant 0 : i32
      %dma_wait3A_231 = tpu.memref_slice %arg5[%add3A_229, %dma_wait3A_230] : memref<128x50xi32, #tpu.memory_space<vmem>> -> memref<1x50xi32, #tpu.memory_space<vmem>>
      %dma_wait3A_232 = tpu.memref_squeeze %dma_wait3A_231 : memref<1x50xi32, #tpu.memory_space<vmem>> -> memref<50xi32, #tpu.memory_space<vmem>>
      %dma_wait3A_233 = arith.constant 0 : i32
      %dma_wait3A_234 = arith.constant 0 : i32
      %dma_wait3A_235 = tpu.memref_slice %arg3[%dma_wait3A_233, %dma_wait3A_234] : memref<100000x128xf32, #tpu.memory_space<hbm>> -> memref<100000x128xf32, #tpu.memory_space<hbm>>
      tpu.wait_indirect_dma semaphore(%arg19 : memref<!tpu.dma_semaphore, #tpu.memory_space<semaphore_mem>>) src(%dma_wait3A_235 : memref<100000x128xf32, #tpu.memory_space<hbm>>) dst(%arg11 : memref<50x128xf32, #tpu.memory_space<vmem>>)
      %add3A_236 = arith.addi %mul3A_2, %add3A_229 : i32
      %dma_start3A_237 = arith.constant 0 : i32
      %dma_start3A_238 = arith.constant 0 : i32
      %dma_start3A_239 = tpu.memref_slice %arg4[%add3A_236, %dma_start3A_237, %dma_start3A_238] : memref<4096x50x128xf32, #tpu.memory_space<hbm>> -> memref<1x50x128xf32, #tpu.memory_space<hbm>>
      %dma_start3A_240 = tpu.memref_squeeze %dma_start3A_239 : memref<1x50x128xf32, #tpu.memory_space<hbm>> -> memref<50x128xf32, #tpu.memory_space<hbm>>
      %dma_start3A_241 = arith.constant 0 : i32
      %dma_start3A_242 = arith.constant 0 : i32
      %dma_start3A_243 = tpu.memref_slice %arg4[%add3A_236, %dma_start3A_241, %dma_start3A_242] : memref<4096x50x128xf32, #tpu.memory_space<hbm>> -> memref<1x50x128xf32, #tpu.memory_space<hbm>>
      %dma_start3A_244 = tpu.memref_squeeze %dma_start3A_243 : memref<1x50x128xf32, #tpu.memory_space<hbm>> -> memref<50x128xf32, #tpu.memory_space<hbm>>
      tpu.enqueue_dma source(%arg11 : memref<50x128xf32, #tpu.memory_space<vmem>>) target(%dma_start3A_244 : memref<50x128xf32, #tpu.memory_space<hbm>>) target_semaphore(%arg27 : memref<!tpu.dma_semaphore, #tpu.memory_space<semaphore_mem>>)
      %add3A_245 = arith.constant 4 : i32
      %add3A_246 = arith.addi %add3A_229, %add3A_245 : i32
      %ge3A_247 = arith.constant 8 : i32
      %ge3A_248 = arith.cmpi sge, %add3A_246, %ge3A_247 : i32
      %convert_element_type3A_249 = arith.extui %ge3A_248 : i1 to i32
      %cond3A_250 = arith.constant 0 : i32
      %cond3A_251 = arith.cmpi ne, %convert_element_type3A_249, %cond3A_250 : i32
      scf.if %cond3A_251 {
        %add3A_321 = arith.constant 4 : i32
        %add3A_322 = arith.addi %add3A_229, %add3A_321 : i32
        %sub3A = arith.constant 8 : i32
        %sub3A_323 = arith.subi %add3A_322, %sub3A : i32
        %add3A_324 = arith.addi %mul3A_2, %sub3A_323 : i32
        %dma_wait3A_325 = arith.constant 0 : i32
        %dma_wait3A_326 = arith.constant 0 : i32
        %dma_wait3A_327 = tpu.memref_slice %arg4[%add3A_324, %dma_wait3A_325, %dma_wait3A_326] : memref<4096x50x128xf32, #tpu.memory_space<hbm>> -> memref<1x50x128xf32, #tpu.memory_space<hbm>>
        %dma_wait3A_328 = tpu.memref_squeeze %dma_wait3A_327 : memref<1x50x128xf32, #tpu.memory_space<hbm>> -> memref<50x128xf32, #tpu.memory_space<hbm>>
        %dma_wait3A_329 = arith.constant 0 : i32
        %dma_wait3A_330 = arith.constant 0 : i32
        %dma_wait3A_331 = tpu.memref_slice %arg4[%add3A_324, %dma_wait3A_329, %dma_wait3A_330] : memref<4096x50x128xf32, #tpu.memory_space<hbm>> -> memref<1x50x128xf32, #tpu.memory_space<hbm>>
        %dma_wait3A_332 = tpu.memref_squeeze %dma_wait3A_331 : memref<1x50x128xf32, #tpu.memory_space<hbm>> -> memref<50x128xf32, #tpu.memory_space<hbm>>
        tpu.wait_dma2 semaphore(%arg23 : memref<!tpu.dma_semaphore, #tpu.memory_space<semaphore_mem>>) src(%arg7 : memref<50x128xf32, #tpu.memory_space<vmem>>) dst(%dma_wait3A_332 : memref<50x128xf32, #tpu.memory_space<hbm>>)
      } else {
      }
      %add3A_252 = arith.constant 4 : i32
      %add3A_253 = arith.addi %add3A_229, %add3A_252 : i32
      %lt3A_254 = arith.constant 128 : i32
      %lt3A_255 = arith.cmpi slt, %add3A_253, %lt3A_254 : i32
      %convert_element_type3A_256 = arith.extui %lt3A_255 : i1 to i32
      %cond3A_257 = arith.constant 0 : i32
      %cond3A_258 = arith.cmpi ne, %convert_element_type3A_256, %cond3A_257 : i32
      scf.if %cond3A_258 {
        %add3A_321 = arith.constant 4 : i32
        %add3A_322 = arith.addi %add3A_229, %add3A_321 : i32
        %dma_start3A_323 = arith.constant 0 : i32
        %dma_start3A_324 = tpu.memref_slice %arg5[%add3A_322, %dma_start3A_323] : memref<128x50xi32, #tpu.memory_space<vmem>> -> memref<1x50xi32, #tpu.memory_space<vmem>>
        %dma_start3A_325 = tpu.memref_squeeze %dma_start3A_324 : memref<1x50xi32, #tpu.memory_space<vmem>> -> memref<50xi32, #tpu.memory_space<vmem>>
        %dma_start3A_326 = arith.constant 0 : i32
        %dma_start3A_327 = arith.constant 0 : i32
        %dma_start3A_328 = tpu.memref_slice %arg3[%dma_start3A_326, %dma_start3A_327] : memref<100000x128xf32, #tpu.memory_space<hbm>> -> memref<100000x128xf32, #tpu.memory_space<hbm>>
        tpu.enqueue_indirect_dma source(%dma_start3A_328 : memref<100000x128xf32, #tpu.memory_space<hbm>>) target(%arg7 : memref<50x128xf32, #tpu.memory_space<vmem>>) offsets(%dma_start3A_325 : memref<50xi32, #tpu.memory_space<vmem>>) semaphore(%arg15 : memref<!tpu.dma_semaphore, #tpu.memory_space<semaphore_mem>>)
      } else {
      }
      %add3A_259 = arith.constant 6 : i32
      %add3A_260 = arith.addi %mul3A_76, %add3A_259 : i32
      %dma_wait3A_261 = arith.constant 0 : i32
      %dma_wait3A_262 = tpu.memref_slice %arg5[%add3A_260, %dma_wait3A_261] : memref<128x50xi32, #tpu.memory_space<vmem>> -> memref<1x50xi32, #tpu.memory_space<vmem>>
      %dma_wait3A_263 = tpu.memref_squeeze %dma_wait3A_262 : memref<1x50xi32, #tpu.memory_space<vmem>> -> memref<50xi32, #tpu.memory_space<vmem>>
      %dma_wait3A_264 = arith.constant 0 : i32
      %dma_wait3A_265 = arith.constant 0 : i32
      %dma_wait3A_266 = tpu.memref_slice %arg3[%dma_wait3A_264, %dma_wait3A_265] : memref<100000x128xf32, #tpu.memory_space<hbm>> -> memref<100000x128xf32, #tpu.memory_space<hbm>>
      tpu.wait_indirect_dma semaphore(%arg20 : memref<!tpu.dma_semaphore, #tpu.memory_space<semaphore_mem>>) src(%dma_wait3A_266 : memref<100000x128xf32, #tpu.memory_space<hbm>>) dst(%arg12 : memref<50x128xf32, #tpu.memory_space<vmem>>)
      %add3A_267 = arith.addi %mul3A_2, %add3A_260 : i32
      %dma_start3A_268 = arith.constant 0 : i32
      %dma_start3A_269 = arith.constant 0 : i32
      %dma_start3A_270 = tpu.memref_slice %arg4[%add3A_267, %dma_start3A_268, %dma_start3A_269] : memref<4096x50x128xf32, #tpu.memory_space<hbm>> -> memref<1x50x128xf32, #tpu.memory_space<hbm>>
      %dma_start3A_271 = tpu.memref_squeeze %dma_start3A_270 : memref<1x50x128xf32, #tpu.memory_space<hbm>> -> memref<50x128xf32, #tpu.memory_space<hbm>>
      %dma_start3A_272 = arith.constant 0 : i32
      %dma_start3A_273 = arith.constant 0 : i32
      %dma_start3A_274 = tpu.memref_slice %arg4[%add3A_267, %dma_start3A_272, %dma_start3A_273] : memref<4096x50x128xf32, #tpu.memory_space<hbm>> -> memref<1x50x128xf32, #tpu.memory_space<hbm>>
      %dma_start3A_275 = tpu.memref_squeeze %dma_start3A_274 : memref<1x50x128xf32, #tpu.memory_space<hbm>> -> memref<50x128xf32, #tpu.memory_space<hbm>>
      tpu.enqueue_dma source(%arg12 : memref<50x128xf32, #tpu.memory_space<vmem>>) target(%dma_start3A_275 : memref<50x128xf32, #tpu.memory_space<hbm>>) target_semaphore(%arg28 : memref<!tpu.dma_semaphore, #tpu.memory_space<semaphore_mem>>)
      %add3A_276 = arith.constant 4 : i32
      %add3A_277 = arith.addi %add3A_260, %add3A_276 : i32
      %ge3A_278 = arith.constant 8 : i32
      %ge3A_279 = arith.cmpi sge, %add3A_277, %ge3A_278 : i32
      %convert_element_type3A_280 = arith.extui %ge3A_279 : i1 to i32
      %cond3A_281 = arith.constant 0 : i32
      %cond3A_282 = arith.cmpi ne, %convert_element_type3A_280, %cond3A_281 : i32
      scf.if %cond3A_282 {
        %add3A_321 = arith.constant 4 : i32
        %add3A_322 = arith.addi %add3A_260, %add3A_321 : i32
        %sub3A = arith.constant 8 : i32
        %sub3A_323 = arith.subi %add3A_322, %sub3A : i32
        %add3A_324 = arith.addi %mul3A_2, %sub3A_323 : i32
        %dma_wait3A_325 = arith.constant 0 : i32
        %dma_wait3A_326 = arith.constant 0 : i32
        %dma_wait3A_327 = tpu.memref_slice %arg4[%add3A_324, %dma_wait3A_325, %dma_wait3A_326] : memref<4096x50x128xf32, #tpu.memory_space<hbm>> -> memref<1x50x128xf32, #tpu.memory_space<hbm>>
        %dma_wait3A_328 = tpu.memref_squeeze %dma_wait3A_327 : memref<1x50x128xf32, #tpu.memory_space<hbm>> -> memref<50x128xf32, #tpu.memory_space<hbm>>
        %dma_wait3A_329 = arith.constant 0 : i32
        %dma_wait3A_330 = arith.constant 0 : i32
        %dma_wait3A_331 = tpu.memref_slice %arg4[%add3A_324, %dma_wait3A_329, %dma_wait3A_330] : memref<4096x50x128xf32, #tpu.memory_space<hbm>> -> memref<1x50x128xf32, #tpu.memory_space<hbm>>
        %dma_wait3A_332 = tpu.memref_squeeze %dma_wait3A_331 : memref<1x50x128xf32, #tpu.memory_space<hbm>> -> memref<50x128xf32, #tpu.memory_space<hbm>>
        tpu.wait_dma2 semaphore(%arg24 : memref<!tpu.dma_semaphore, #tpu.memory_space<semaphore_mem>>) src(%arg8 : memref<50x128xf32, #tpu.memory_space<vmem>>) dst(%dma_wait3A_332 : memref<50x128xf32, #tpu.memory_space<hbm>>)
      } else {
      }
      %add3A_283 = arith.constant 4 : i32
      %add3A_284 = arith.addi %add3A_260, %add3A_283 : i32
      %lt3A_285 = arith.constant 128 : i32
      %lt3A_286 = arith.cmpi slt, %add3A_284, %lt3A_285 : i32
      %convert_element_type3A_287 = arith.extui %lt3A_286 : i1 to i32
      %cond3A_288 = arith.constant 0 : i32
      %cond3A_289 = arith.cmpi ne, %convert_element_type3A_287, %cond3A_288 : i32
      scf.if %cond3A_289 {
        %add3A_321 = arith.constant 4 : i32
        %add3A_322 = arith.addi %add3A_260, %add3A_321 : i32
        %dma_start3A_323 = arith.constant 0 : i32
        %dma_start3A_324 = tpu.memref_slice %arg5[%add3A_322, %dma_start3A_323] : memref<128x50xi32, #tpu.memory_space<vmem>> -> memref<1x50xi32, #tpu.memory_space<vmem>>
        %dma_start3A_325 = tpu.memref_squeeze %dma_start3A_324 : memref<1x50xi32, #tpu.memory_space<vmem>> -> memref<50xi32, #tpu.memory_space<vmem>>
        %dma_start3A_326 = arith.constant 0 : i32
        %dma_start3A_327 = arith.constant 0 : i32
        %dma_start3A_328 = tpu.memref_slice %arg3[%dma_start3A_326, %dma_start3A_327] : memref<100000x128xf32, #tpu.memory_space<hbm>> -> memref<100000x128xf32, #tpu.memory_space<hbm>>
        tpu.enqueue_indirect_dma source(%dma_start3A_328 : memref<100000x128xf32, #tpu.memory_space<hbm>>) target(%arg8 : memref<50x128xf32, #tpu.memory_space<vmem>>) offsets(%dma_start3A_325 : memref<50xi32, #tpu.memory_space<vmem>>) semaphore(%arg16 : memref<!tpu.dma_semaphore, #tpu.memory_space<semaphore_mem>>)
      } else {
      }
      %add3A_290 = arith.constant 7 : i32
      %add3A_291 = arith.addi %mul3A_76, %add3A_290 : i32
      %dma_wait3A_292 = arith.constant 0 : i32
      %dma_wait3A_293 = tpu.memref_slice %arg5[%add3A_291, %dma_wait3A_292] : memref<128x50xi32, #tpu.memory_space<vmem>> -> memref<1x50xi32, #tpu.memory_space<vmem>>
      %dma_wait3A_294 = tpu.memref_squeeze %dma_wait3A_293 : memref<1x50xi32, #tpu.memory_space<vmem>> -> memref<50xi32, #tpu.memory_space<vmem>>
      %dma_wait3A_295 = arith.constant 0 : i32
      %dma_wait3A_296 = arith.constant 0 : i32
      %dma_wait3A_297 = tpu.memref_slice %arg3[%dma_wait3A_295, %dma_wait3A_296] : memref<100000x128xf32, #tpu.memory_space<hbm>> -> memref<100000x128xf32, #tpu.memory_space<hbm>>
      tpu.wait_indirect_dma semaphore(%arg21 : memref<!tpu.dma_semaphore, #tpu.memory_space<semaphore_mem>>) src(%dma_wait3A_297 : memref<100000x128xf32, #tpu.memory_space<hbm>>) dst(%arg13 : memref<50x128xf32, #tpu.memory_space<vmem>>)
      %add3A_298 = arith.addi %mul3A_2, %add3A_291 : i32
      %dma_start3A_299 = arith.constant 0 : i32
      %dma_start3A_300 = arith.constant 0 : i32
      %dma_start3A_301 = tpu.memref_slice %arg4[%add3A_298, %dma_start3A_299, %dma_start3A_300] : memref<4096x50x128xf32, #tpu.memory_space<hbm>> -> memref<1x50x128xf32, #tpu.memory_space<hbm>>
      %dma_start3A_302 = tpu.memref_squeeze %dma_start3A_301 : memref<1x50x128xf32, #tpu.memory_space<hbm>> -> memref<50x128xf32, #tpu.memory_space<hbm>>
      %dma_start3A_303 = arith.constant 0 : i32
      %dma_start3A_304 = arith.constant 0 : i32
      %dma_start3A_305 = tpu.memref_slice %arg4[%add3A_298, %dma_start3A_303, %dma_start3A_304] : memref<4096x50x128xf32, #tpu.memory_space<hbm>> -> memref<1x50x128xf32, #tpu.memory_space<hbm>>
      %dma_start3A_306 = tpu.memref_squeeze %dma_start3A_305 : memref<1x50x128xf32, #tpu.memory_space<hbm>> -> memref<50x128xf32, #tpu.memory_space<hbm>>
      tpu.enqueue_dma source(%arg13 : memref<50x128xf32, #tpu.memory_space<vmem>>) target(%dma_start3A_306 : memref<50x128xf32, #tpu.memory_space<hbm>>) target_semaphore(%arg29 : memref<!tpu.dma_semaphore, #tpu.memory_space<semaphore_mem>>)
      %add3A_307 = arith.constant 4 : i32
      %add3A_308 = arith.addi %add3A_291, %add3A_307 : i32
      %ge3A_309 = arith.constant 8 : i32
      %ge3A_310 = arith.cmpi sge, %add3A_308, %ge3A_309 : i32
      %convert_element_type3A_311 = arith.extui %ge3A_310 : i1 to i32
      %cond3A_312 = arith.constant 0 : i32
      %cond3A_313 = arith.cmpi ne, %convert_element_type3A_311, %cond3A_312 : i32
      scf.if %cond3A_313 {
        %add3A_321 = arith.constant 4 : i32
        %add3A_322 = arith.addi %add3A_291, %add3A_321 : i32
        %sub3A = arith.constant 8 : i32
        %sub3A_323 = arith.subi %add3A_322, %sub3A : i32
        %add3A_324 = arith.addi %mul3A_2, %sub3A_323 : i32
        %dma_wait3A_325 = arith.constant 0 : i32
        %dma_wait3A_326 = arith.constant 0 : i32
        %dma_wait3A_327 = tpu.memref_slice %arg4[%add3A_324, %dma_wait3A_325, %dma_wait3A_326] : memref<4096x50x128xf32, #tpu.memory_space<hbm>> -> memref<1x50x128xf32, #tpu.memory_space<hbm>>
        %dma_wait3A_328 = tpu.memref_squeeze %dma_wait3A_327 : memref<1x50x128xf32, #tpu.memory_space<hbm>> -> memref<50x128xf32, #tpu.memory_space<hbm>>
        %dma_wait3A_329 = arith.constant 0 : i32
        %dma_wait3A_330 = arith.constant 0 : i32
        %dma_wait3A_331 = tpu.memref_slice %arg4[%add3A_324, %dma_wait3A_329, %dma_wait3A_330] : memref<4096x50x128xf32, #tpu.memory_space<hbm>> -> memref<1x50x128xf32, #tpu.memory_space<hbm>>
        %dma_wait3A_332 = tpu.memref_squeeze %dma_wait3A_331 : memref<1x50x128xf32, #tpu.memory_space<hbm>> -> memref<50x128xf32, #tpu.memory_space<hbm>>
        tpu.wait_dma2 semaphore(%arg25 : memref<!tpu.dma_semaphore, #tpu.memory_space<semaphore_mem>>) src(%arg9 : memref<50x128xf32, #tpu.memory_space<vmem>>) dst(%dma_wait3A_332 : memref<50x128xf32, #tpu.memory_space<hbm>>)
      } else {
      }
      %add3A_314 = arith.constant 4 : i32
      %add3A_315 = arith.addi %add3A_291, %add3A_314 : i32
      %lt3A_316 = arith.constant 128 : i32
      %lt3A_317 = arith.cmpi slt, %add3A_315, %lt3A_316 : i32
      %convert_element_type3A_318 = arith.extui %lt3A_317 : i1 to i32
      %cond3A_319 = arith.constant 0 : i32
      %cond3A_320 = arith.cmpi ne, %convert_element_type3A_318, %cond3A_319 : i32
      scf.if %cond3A_320 {
        %add3A_321 = arith.constant 4 : i32
        %add3A_322 = arith.addi %add3A_291, %add3A_321 : i32
        %dma_start3A_323 = arith.constant 0 : i32
        %dma_start3A_324 = tpu.memref_slice %arg5[%add3A_322, %dma_start3A_323] : memref<128x50xi32, #tpu.memory_space<vmem>> -> memref<1x50xi32, #tpu.memory_space<vmem>>
        %dma_start3A_325 = tpu.memref_squeeze %dma_start3A_324 : memref<1x50xi32, #tpu.memory_space<vmem>> -> memref<50xi32, #tpu.memory_space<vmem>>
        %dma_start3A_326 = arith.constant 0 : i32
        %dma_start3A_327 = arith.constant 0 : i32
        %dma_start3A_328 = tpu.memref_slice %arg3[%dma_start3A_326, %dma_start3A_327] : memref<100000x128xf32, #tpu.memory_space<hbm>> -> memref<100000x128xf32, #tpu.memory_space<hbm>>
        tpu.enqueue_indirect_dma source(%dma_start3A_328 : memref<100000x128xf32, #tpu.memory_space<hbm>>) target(%arg9 : memref<50x128xf32, #tpu.memory_space<vmem>>) offsets(%dma_start3A_325 : memref<50xi32, #tpu.memory_space<vmem>>) semaphore(%arg17 : memref<!tpu.dma_semaphore, #tpu.memory_space<semaphore_mem>>)
      } else {
      }
    }
    %scan3A_34 = arith.constant 16 : i32
    %add3A_35 = arith.constant 124 : i32
    %add3A_36 = arith.addi %mul3A_2, %add3A_35 : i32
    %dma_wait3A = arith.constant 0 : i32
    %dma_wait3A_37 = arith.constant 0 : i32
    %dma_wait3A_38 = tpu.memref_slice %arg4[%add3A_36, %dma_wait3A, %dma_wait3A_37] : memref<4096x50x128xf32, #tpu.memory_space<hbm>> -> memref<1x50x128xf32, #tpu.memory_space<hbm>>
    %dma_wait3A_39 = tpu.memref_squeeze %dma_wait3A_38 : memref<1x50x128xf32, #tpu.memory_space<hbm>> -> memref<50x128xf32, #tpu.memory_space<hbm>>
    %dma_wait3A_40 = arith.constant 0 : i32
    %dma_wait3A_41 = arith.constant 0 : i32
    %dma_wait3A_42 = tpu.memref_slice %arg4[%add3A_36, %dma_wait3A_40, %dma_wait3A_41] : memref<4096x50x128xf32, #tpu.memory_space<hbm>> -> memref<1x50x128xf32, #tpu.memory_space<hbm>>
    %dma_wait3A_43 = tpu.memref_squeeze %dma_wait3A_42 : memref<1x50x128xf32, #tpu.memory_space<hbm>> -> memref<50x128xf32, #tpu.memory_space<hbm>>
    tpu.wait_dma2 semaphore(%arg26 : memref<!tpu.dma_semaphore, #tpu.memory_space<semaphore_mem>>) src(%arg10 : memref<50x128xf32, #tpu.memory_space<vmem>>) dst(%dma_wait3A_43 : memref<50x128xf32, #tpu.memory_space<hbm>>)
    %add3A_44 = arith.constant 125 : i32
    %add3A_45 = arith.addi %mul3A_2, %add3A_44 : i32
    %dma_wait3A_46 = arith.constant 0 : i32
    %dma_wait3A_47 = arith.constant 0 : i32
    %dma_wait3A_48 = tpu.memref_slice %arg4[%add3A_45, %dma_wait3A_46, %dma_wait3A_47] : memref<4096x50x128xf32, #tpu.memory_space<hbm>> -> memref<1x50x128xf32, #tpu.memory_space<hbm>>
    %dma_wait3A_49 = tpu.memref_squeeze %dma_wait3A_48 : memref<1x50x128xf32, #tpu.memory_space<hbm>> -> memref<50x128xf32, #tpu.memory_space<hbm>>
    %dma_wait3A_50 = arith.constant 0 : i32
    %dma_wait3A_51 = arith.constant 0 : i32
    %dma_wait3A_52 = tpu.memref_slice %arg4[%add3A_45, %dma_wait3A_50, %dma_wait3A_51] : memref<4096x50x128xf32, #tpu.memory_space<hbm>> -> memref<1x50x128xf32, #tpu.memory_space<hbm>>
    %dma_wait3A_53 = tpu.memref_squeeze %dma_wait3A_52 : memref<1x50x128xf32, #tpu.memory_space<hbm>> -> memref<50x128xf32, #tpu.memory_space<hbm>>
    tpu.wait_dma2 semaphore(%arg27 : memref<!tpu.dma_semaphore, #tpu.memory_space<semaphore_mem>>) src(%arg11 : memref<50x128xf32, #tpu.memory_space<vmem>>) dst(%dma_wait3A_53 : memref<50x128xf32, #tpu.memory_space<hbm>>)
    %add3A_54 = arith.constant 126 : i32
    %add3A_55 = arith.addi %mul3A_2, %add3A_54 : i32
    %dma_wait3A_56 = arith.constant 0 : i32
    %dma_wait3A_57 = arith.constant 0 : i32
    %dma_wait3A_58 = tpu.memref_slice %arg4[%add3A_55, %dma_wait3A_56, %dma_wait3A_57] : memref<4096x50x128xf32, #tpu.memory_space<hbm>> -> memref<1x50x128xf32, #tpu.memory_space<hbm>>
    %dma_wait3A_59 = tpu.memref_squeeze %dma_wait3A_58 : memref<1x50x128xf32, #tpu.memory_space<hbm>> -> memref<50x128xf32, #tpu.memory_space<hbm>>
    %dma_wait3A_60 = arith.constant 0 : i32
    %dma_wait3A_61 = arith.constant 0 : i32
    %dma_wait3A_62 = tpu.memref_slice %arg4[%add3A_55, %dma_wait3A_60, %dma_wait3A_61] : memref<4096x50x128xf32, #tpu.memory_space<hbm>> -> memref<1x50x128xf32, #tpu.memory_space<hbm>>
    %dma_wait3A_63 = tpu.memref_squeeze %dma_wait3A_62 : memref<1x50x128xf32, #tpu.memory_space<hbm>> -> memref<50x128xf32, #tpu.memory_space<hbm>>
    tpu.wait_dma2 semaphore(%arg28 : memref<!tpu.dma_semaphore, #tpu.memory_space<semaphore_mem>>) src(%arg12 : memref<50x128xf32, #tpu.memory_space<vmem>>) dst(%dma_wait3A_63 : memref<50x128xf32, #tpu.memory_space<hbm>>)
    %add3A_64 = arith.constant 127 : i32
    %add3A_65 = arith.addi %mul3A_2, %add3A_64 : i32
    %dma_wait3A_66 = arith.constant 0 : i32
    %dma_wait3A_67 = arith.constant 0 : i32
    %dma_wait3A_68 = tpu.memref_slice %arg4[%add3A_65, %dma_wait3A_66, %dma_wait3A_67] : memref<4096x50x128xf32, #tpu.memory_space<hbm>> -> memref<1x50x128xf32, #tpu.memory_space<hbm>>
    %dma_wait3A_69 = tpu.memref_squeeze %dma_wait3A_68 : memref<1x50x128xf32, #tpu.memory_space<hbm>> -> memref<50x128xf32, #tpu.memory_space<hbm>>
    %dma_wait3A_70 = arith.constant 0 : i32
    %dma_wait3A_71 = arith.constant 0 : i32
    %dma_wait3A_72 = tpu.memref_slice %arg4[%add3A_65, %dma_wait3A_70, %dma_wait3A_71] : memref<4096x50x128xf32, #tpu.memory_space<hbm>> -> memref<1x50x128xf32, #tpu.memory_space<hbm>>
    %dma_wait3A_73 = tpu.memref_squeeze %dma_wait3A_72 : memref<1x50x128xf32, #tpu.memory_space<hbm>> -> memref<50x128xf32, #tpu.memory_space<hbm>>
    tpu.wait_dma2 semaphore(%arg29 : memref<!tpu.dma_semaphore, #tpu.memory_space<semaphore_mem>>) src(%arg13 : memref<50x128xf32, #tpu.memory_space<vmem>>) dst(%dma_wait3A_73 : memref<50x128xf32, #tpu.memory_space<hbm>>)
    return
  }
}

module attributes {stable_mosaic.version = 14 : i64} {
  func.func @_mask_body(%arg0: memref<4096x50xi32, #tpu.memory_space<vmem>>, %arg1: memref<4096x50xi32, #tpu.memory_space<vmem>>) attributes {dimension_semantics = [], scalar_prefetch = 0 : i64, scratch_operands = 0 : i64, tpu.core_type = #tpu.core_type<tc>} {
    %get3A = arith.constant 0 : index
    %get3A_0 = arith.constant 0 : index
    %get3A_1 = vector.load %arg0[%get3A, %get3A_0] : memref<4096x50xi32, #tpu.memory_space<vmem>>, vector<4096x50xi32>
    %sign3A = arith.constant 0 : i32
    %sign3A_2 = vector.broadcast %sign3A : i32 to vector<4096x50xi32>
    %sign3A_3 = arith.cmpi sgt, %get3A_1, %sign3A_2 : vector<4096x50xi32>
    %sign3A_4 = arith.extui %sign3A_3 : vector<4096x50xi1> to vector<4096x50xi32>
    %sign3A_5 = arith.constant 0 : i32
    %sign3A_6 = vector.broadcast %sign3A_5 : i32 to vector<4096x50xi32>
    %sign3A_7 = arith.cmpi slt, %get3A_1, %sign3A_6 : vector<4096x50xi32>
    %sign3A_8 = arith.extui %sign3A_7 : vector<4096x50xi1> to vector<4096x50xi32>
    %sign3A_9 = arith.subi %sign3A_4, %sign3A_8 : vector<4096x50xi32>
    %swap3A = arith.constant 0 : index
    %swap3A_10 = arith.constant 0 : index
    %swap3A_11 = vector.load %arg1[%swap3A, %swap3A_10] : memref<4096x50xi32, #tpu.memory_space<vmem>>, vector<4096x50xi32>
    tpu.vector_store %arg1[%swap3A, %swap3A_10], %sign3A_9 {strides = array<i32>} : memref<4096x50xi32, #tpu.memory_space<vmem>>, vector<4096x50xi32>,
    return
  }
}

</mosaic_0001>

<sc_bundles>
// kernel: kernel.4.cloned.1.call-start
scs
__scs_entry_jumppad:
0x0: {  	(pc) =	sbr.rel $0x88, $3  }
0x1: {  	(tag) =	ssettag $0x0;
	lr =	simm.s32 $0x1  }
0x2: {  	[smem:$0x3F9F] =	sst lr;
	_ =	strace $0xD0000000  }
0x3: {  	_ = 	snop  }
0x4: {  	_ = 	snop  }
0x5: {  	_ = 	snop  }
0x6: {  	_ = 	snop  }
0x7: {  	_ = 	snop  }
__scs_overlays_trampoline_lowered:
0x8: {  	[smem:$0x3FAE] =	sst s0  }
0x9: {  	[smem:$0x3FAF] =	sst s1  }
0xa: {  	[smem:$0x3FB0] =	sst s2  }
0xb: {  	[smem:$0x3FB1] =	sst s3  }
0xc: {  	[smem:$0x3FB2] =	sst s4  }
0xd: {  	[smem:$0x3FB3] =	sst s5  }
0xe: {  	[smem:$0x3FB4] =	sst s6  }
0xf: {  	[smem:$0x3FB5] =	sst s7  }
0x10: {  	[smem:$0x3FB6] =	sst s8  }
0x11: {  	[smem:$0x3FB7] =	sst s9;
	s0 =	simm.s32 @!p0 $0x0  }
0x12: {  	s1 =	sld [smem:$0x3F9D];
	s0 =	simm.s32 @p0 $0x1  }
0x13: {  	[smem:$0x3FB8] =	sst s0;
	s0 =	simm.s32 @!p1 $0x0  }
0x14: {  	s2 =	sld [smem:$0x3F9C];
	s0 =	simm.s32 @p1 $0x1  }
0x15: {  	[smem:$0x3FB9] =	sst s0;
	s0 =	simm.s32 @!p2 $0x0  }
0x16: {  	s3 =	sld [smem:$0x3FDB];
	s0 =	simm.s32 @p2 $0x1  }
0x17: {  	s4 =	simm.s32 $0x1BF5;
	[smem:$0x3FBB] =	sst s0  }
0x18: {  	s0 =	sld [smem:$0x3F9E];
	_ =	swait.ge [sflag:s4], $0x0  }
0x19: {  	s7 =	sld [smem:$0x3F9F]  }
0x1a: {  	s8 =	sadd.s32 $0xFFFFE003, lr  }
0x1b: {  	s9 =	sadd.s32 $0xFFFFFEF7, lr;
	s5 =	simm.s32 $0xFFFFFFFF;
	p2 =	slt.u32 s8, $0xFFFFF086  }
0x1c: {  	p1 =	slt.u32 s9, $0xF7A;
	s5 =	simm.s32 @!p2 $0x0  }
0x1d: {  	s5 =	simm.s32 @p1 $0x1;
	p0 =	seq.s32 s7, s2  }
0x1e: {  	s7 =	smul.u32 @!p0 $0xF7A, s2;
	p2 =	seq.s32 @!p0 s5, $0x0  }
0x1f: {  	s9 =	smul.u32 $0xF7A, s1;
	s8 =	simm.s32 @!p0 $0x1BF5;
	p2 =	por !p2, p0  }
0x20: {  	[sflag:s8] =	ssyncset.s32 @!p0 $0xFFFFF086;
	s6 =	sadd.s32 @!p0 s3, s7;
	s7 =	simm.s32 @!p0 $0x108  }
0x21: {  	s3 =	sadd.s32 s3, s9;
	s6 =	sadd.s32 @!p0 $0x88, s6;
	s7 =	simm.s32 @p2 $0x1082  }
0x22: {  	[simem:s7], [sflag:s8] =	dma.local @!p0 [hbm:s6], $0xF7A  }
0x23: {  	s9 =	sor.u32 $0xD0000000, s2;
	s6 =	simm.s32 $0x108;
	_ =	swait.ge @!p0 [sflag:s8], $0x0  }
0x24: {  	s3 =	sadd.s32 $0x88, s3;
	s6 =	simm.s32 @!p1 $0x1082;
	[sflag:s4] =	ssyncset.s32 $0xFFFFF086  }
0x25: {  	[simem:s6], [sflag:s4] =	dma.local [hbm:s3], $0xF7A  }
0x26: {  	[smem:$0x3F9F] =	sst s1;
	(tag) =	ssettag s2;
	_ =	strace s9  }
0x27: {  	s1 =	sld [smem:$0x3FAF]  }
0x28: {  	s2 =	sld [smem:$0x3FB0]  }
0x29: {  	s4 =	sld [smem:$0x3FB2]  }
0x2a: {  	p0 =	seq.s32 s5, $0x0;
	s5 =	sld [smem:$0x3FB3]  }
0x2b: {  	s6 =	sld [smem:$0x3FB4]  }
0x2c: {  	s7 =	sld [smem:$0x3FB5]  }
0x2d: {  	s3 =	simm.s32 $0x108;
	s8 =	sld [smem:$0x3FB6]  }
0x2e: {  	s3 =	simm.s32 @!p0 $0x1082;
	s9 =	sld [smem:$0x3FB7]  }
0x2f: {  	lr =	sadd.s32 s0, s3;
	s0 =	sld [smem:$0x3FAE]  }
0x30: {  	s3 =	sld [smem:$0x3FB1]  }
0x31: {  	[smem:$0x3FBA] =	sst s10  }
0x32: {  	s10 =	sld [smem:$0x3FB8];
	_ =	sdelay $0x3  }
0x33: {  	p0 =	seq.s32 s10, $0x1;
	s10 =	sld [smem:$0x3FBA];
	_ =	sdelay $0x3  }
0x34: {  	[smem:$0x3FBA] =	sst s10  }
0x35: {  	s10 =	sld [smem:$0x3FB9];
	_ =	sdelay $0x3  }
0x36: {  	p1 =	seq.s32 s10, $0x1;
	s10 =	sld [smem:$0x3FBA];
	_ =	sdelay $0x3  }
0x37: {  	[smem:$0x3FBA] =	sst s10  }
0x38: {  	s10 =	sld [smem:$0x3FBB]  }
0x39: {  	_ = 	snop;
	(pc) =	sbr.ind lr, $3  }
0x3a: {  	_ = 	snop  }
0x3b: {  	_ = 	snop  }
0x3c: {  	p2 =	seq.s32 s10, $0x1;
	s10 =	sld [smem:$0x3FBA]  }
0x3d: {  	_ =	shalt  }
0x3e: {  	_ =	shalt  }
0x3f: {  	_ =	shalt  }
0x40: {  	_ =	shalt  }
0x41: {  	_ =	shalt  }
0x42: {  	_ =	shalt  }
0x43: {  	_ =	shalt  }
0x44: {  	_ =	shalt  }
0x45: {  	_ =	shalt  }
0x46: {  	_ =	shalt  }
0x47: {  	_ =	shalt  }
0x48: {  	_ =	shalt  }
0x49: {  	_ =	shalt  }
0x4a: {  	_ =	shalt  }
0x4b: {  	_ =	shalt  }
0x4c: {  	_ =	shalt  }
0x4d: {  	_ =	shalt  }
0x4e: {  	_ =	shalt  }
0x4f: {  	_ =	shalt  }
0x50: {  	_ =	shalt  }
0x51: {  	_ =	shalt  }
0x52: {  	_ =	shalt  }
0x53: {  	_ =	shalt  }
0x54: {  	_ =	shalt  }
0x55: {  	_ =	shalt  }
0x56: {  	_ =	shalt  }
0x57: {  	_ =	shalt  }
0x58: {  	_ =	shalt  }
0x59: {  	_ =	shalt  }
0x5a: {  	_ =	shalt  }
0x5b: {  	_ =	shalt  }
0x5c: {  	_ =	shalt  }
0x5d: {  	_ =	shalt  }
0x5e: {  	_ =	shalt  }
0x5f: {  	_ =	shalt  }
0x60: {  	_ =	shalt  }
0x61: {  	_ =	shalt  }
0x62: {  	_ =	shalt  }
0x63: {  	_ =	shalt  }
0x64: {  	_ =	shalt  }
0x65: {  	_ =	shalt  }
0x66: {  	_ =	shalt  }
0x67: {  	_ =	shalt  }
0x68: {  	_ =	shalt  }
0x69: {  	_ =	shalt  }
0x6a: {  	_ =	shalt  }
0x6b: {  	_ =	shalt  }
0x6c: {  	_ =	shalt  }
0x6d: {  	_ =	shalt  }
0x6e: {  	_ =	shalt  }
0x6f: {  	_ =	shalt  }
0x70: {  	_ =	shalt  }
0x71: {  	_ =	shalt  }
0x72: {  	_ =	shalt  }
0x73: {  	_ =	shalt  }
0x74: {  	_ =	shalt  }
0x75: {  	_ =	shalt  }
0x76: {  	_ =	shalt  }
0x77: {  	_ =	shalt  }
0x78: {  	_ =	shalt  }
0x79: {  	_ =	shalt  }
0x7a: {  	_ =	shalt  }
0x7b: {  	_ =	shalt  }
0x7c: {  	_ =	shalt  }
0x7d: {  	_ =	shalt  }
0x7e: {  	_ =	shalt  }
0x7f: {  	_ =	shalt  }
0x80: {  	_ =	shalt  }
0x81: {  	_ =	shalt  }
0x82: {  	_ =	shalt  }
0x83: {  	_ =	shalt  }
0x84: {  	_ =	shalt  }
0x85: {  	_ =	shalt  }
0x86: {  	_ =	shalt  }
0x87: {  	_ =	shalt  }
.Lfunc_end0:
.L_simem_size_0:
called_computation_lowered:
.L_overlay_start_0:
0x88: {  	s2 =	sld [smem:$0x3FD9]  }
0x89: {  	s3 =	sld [smem:$0x3FFE];
	_ =	sdelay $0x1  }
0x8a: {  	s1 =	srdreg.scid  }
0x8b: {  	s0 =	sand.u32 $0x1, s1  }
0x8c: {  	s14 =	sshll.u32 s0, $0xA;
	s2 =	sadd.s32 s3, s2  }
0x8d: {  	s2 =	sadd.s32 s2, s14  }
0x8e: {  	[smem:$0x3FC6] =	sst s2  }
0x8f: {  	_ = 	snop  }
0x90: {  	s2 =	sld [smem:$0x3FD0];
	_ =	sdelay $0x2  }
0x91: {  	s4 =	simm.s32 $0xA;
	s5 =	simm.s32 $0x10;
	s15 =	sld [smem:$0x3FC8]  }
0x92: {  	[smem:s5], [sflag:s4] =	dma.local [hbm:s2], $0x1  }
0x93: {  	_ =	swait.eq [sflag:s4], $0x1  }
0x94: {  	[sflag:s4] =	ssyncset.done $0x0  }
0x95: {  	[sflag:s4] =	ssyncadd.s32 $0xFFFFFFFF  }
0x96: {  	s16 =	sld [smem:$0x10];
	(tm) =	ssettm $0x1  }
0x97: {  	s17 =	sld [smem:$0x3FFB];
	_ =	sdelay $0x3  }
0x98: {  	_ =	strace s17  }
0x99: {  	s4 =	sld [smem:$0x3FFC];
	_ =	sdelay $0x3  }
0x9a: {  	_ =	strace s4  }
0x9b: {  	s4 =	sld [smem:$0x3FFD];
	_ =	sdelay $0x3  }
0x9c: {  	_ =	strace s4  }
0x9d: {  	_ =	strace $0x8FFFFFFF  }
0x9e: {  	s18 =	sld [smem:$0x3FDB];
	_ =	sdelay $0x1  }
0x9f: {  	s19 =	simm.s32 $_scs_section_size  }
0xa0: {  	s6 =	simm.s32 $_size__tile_overlayer_lowered;
	s7 =	simm.s32 $_tile_overlayer_lowered  }
0xa1: {  	s22 =	simm.s32 $0x1BFF;
	s21 =	sshll.u32 s7, $0x1;
	s4 =	sadd.s32 s19, s18  }
0xa2: {  	s8 =	simm.s32 $0x0;
	s20 =	sshll.u32 s6, $0x1;
	s6 =	sadd.s32 s21, s4  }
0xa3: {  	[timem:s8], [sflag:s22] =	dma.local [hbm:s6], s20  }
0xa4: {  	_ =	swait.ge [sflag:s22], s20  }
0xa5: {  	s5 =	ssub.s32 $0x0, s20;
	[sflag:s22] =	ssyncset.done $0x0  }
0xa6: {  	[sflag:s22] =	ssyncadd.s32 s5;
	_ =	sdelay $0x1  }
0xa7: {  	s23 =	simm.s32 $0x1B8B  }
0xa8: {  	_ =	swait.ge [sflag:s23], $0x1  }
0xa9: {  	[sflag:s23] =	ssyncset.done $0x0  }
0xaa: {  	s25 =	simm.s32 $0x1B8E;
	s24 =	sld [smem:$0x3FFE];
	[sflag:s23] =	ssyncadd.s32 $0xFFFFFFFF  }
0xab: {  	s26 =	simm.s32 $execute0_lowered;
	[smem:$0x3FD2] =	sst s25  }
0xac: {  	s6 =	sshll.u32 s26, $0x1;
	_ =	strace $0x80000046;
	[dreg:$0x1] =	wrdreg $0xFFFFFFFF  }
0xad: {  	s28 =	simm.s32 $_size_execute0_lowered;
	s4 =	sadd.s32 s4, s6;
	[dreg:$0x0] =	wrdreg $0x0  }
0xae: {  	s6 =	sshll.u32 s28, $0x1;
	[dreg:$0x2] =	wrdreg s4  }
0xaf: {  	[dreg:$0x3] =	wrdreg s6  }
0xb0: {  	[dreg:$0x4] =	wrdreg $0xC0  }
0xb1: {  	_ =	task [dreg:s8], $0x5FFFF  }
0xb2: {  	[dreg:$0x1] =	wrdreg $0xFFFFFFFF  }
0xb3: {  	[dreg:$0x0] =	wrdreg $0x60  }
0xb4: {  	[dreg:$0x2] =	wrdreg s16  }
0xb5: {  	[dreg:$0x3] =	wrdreg s15  }
0xb6: {  	[dreg:$0x4] =	wrdreg s24  }
0xb7: {  	[dreg:$0x5] =	wrdreg $0x9  }
0xb8: {  	_ =	task.clear_ibuf [dreg:s8], $0x6FFFF;
	_ =	strace $0x90000046  }
0xb9: {  	s29 =	simm.s32 $0x9;
	_ =	strace $0x80000048  }
0xba: {  	_ =	swait.ge [sflag:s29], $0x1  }
0xbb: {  	[sflag:s29] =	ssyncadd.s32 $0xFFFFFFFF  }
0xbc: {  	_ =	strace $0x90000048  }
0xbd: {  	_ =	sfence  }
0xbe: {  	s30 =	sld [smem:$0x0];
	_ =	sdelay $0x2  }
0xbf: {  	s31 =	sshll.u32 s1, $0xD;
	s1 =	sshrl.u32 s1, $0x2  }
0xc0: {  	s3 =	sand.u32 $0x4000, s31;
	s1 =	sadd.s32 s1, s30  }
0xc1: {  	s0 =	sor.u32 s3, s0;
	s1 =	sshll.u32 s1, $0x11  }
0xc2: {  	s0 =	sor.u32 s1, s0  }
0xc3: {  	s0 =	sadd.s32 $0x8F2B, s0  }
0xc4: {  	[sflag:s0] =	ssyncadd.remote.s32 $0x1  }
0xc5: {  	_ =	sfence.sel $0xFFFF  }
0xc6: {  	[dreg:$0x0] =	wrdreg $0xFFFFFFFF;
	(pc) =	sbr.abs _section_cstart, $3  }
0xc7: {  	[dreg:$0x1] =	wrdreg $0xFFFFFFFF  }
0xc8: {  	_ =	task.clear_ibuf [dreg:s8], $0x2FFFF;
	_ =	strace $0x9FFFFFFF  }
0xc9: {  	(tm) =	ssettm $0x7FFFFFFF  }
tec
execute0_lowered:
.L_overlay_start_1:
0x0: {  	(tag) =	ssettag $0x1  }
0x1: {  	s0 =	rddreg [dreg:$0x0]  }
0x2: {  	s1 =	rddreg [dreg:$0x1]  }
0x3: {  	s2 =	rddreg [dreg:$0x2]  }
0x4: {  	s3 =	simm.s32 $0x0;
	s8 =	stileid.u32;
	s5 =	srdreg.scid  }
0x5: {  	s9 =	simm.s32 $0x4000;
	s11 =	simm.s32 $0x5C00;
	s13 =	simm.s32 $0x7800  }
0x6: {  	s15 =	simm.s32 $0x9400;
	s16 =	simm.s32 $0x1;
	s17 =	simm.s32 $0xB000  }
0x7: {  	s18 =	simm.s32 $0x2;
	s19 =	simm.s32 $0xCC00;
	s20 =	simm.s32 $0x3  }
0x8: {  	s21 =	simm.s32 $0xE800;
	s22 =	simm.s32 $0x4;
	s23 =	simm.s32 $0x10400  }
0x9: {  	s28 =	simm.s32 $0xA;
	s29 =	simm.s32 $0x7;
	s30 =	simm.s32 $0xB  }
0xa: {  	s31 =	simm.s32 $0x8;
	[smem:$0x7FF] =	sst s3;
	s4 =	smul.u32 $0x38000, s8  }
0xb: {  	s5 =	sand.u32 $0x1, s5;
	s8 =	sshll.u32 s8, $0xC;
	_ =	strace $0x80000047  }
0xc: {  	s24 =	ssub.s32 $0x2, s5;
	s6 =	smul.u32 $0x1C000, s5;
	s5 =	sshll.u32 s5, $0xB  }
0xd: {  	s2 =	sadd.s32 s4, s2;
	s7 =	sshrl.u32 s24, $0x1;
	s5 =	sor.u32 s5, s8  }
.Ltmp0:
0xe: {  	s8 =	simm.s32 $0x32;
	s4 =	ssub.s32 s24, s7;
	(pc) =	sbr.rel .LBB2_1-.Ltmp0, $4  }
0xf: {  	s2 =	sadd.s32 s6, s2;
	s0 =	sadd.s32 s0, s5;
	s24 =	simm.s32 $0x5  }
0x10: {  	[dreg:$0x4] =	wrdreg s0;
	s25 =	smax.u32 s4, $0x1;
	s26 =	sadd.s32 $0x600, s2  }
0x11: {  	s0 =	simm.s32 $0xC;
	s4 =	simm.s32 $0x0;
	[dreg:$0x5] =	wrdreg s25  }
0x12: {  	[dreg:$0x6] =	wrdreg s26;
	s25 =	simm.s32 $0x9;
	s26 =	simm.s32 $0x6  }
.LBB2_4:
0x13: {  	s2 =	simm.s32 $0xD  }
0x14: {  	_ =	swait.ge [sflag:s2], $0x1900  }
0x15: {  	[sflag:s2] =	ssyncset.done $0x0  }
0x16: {  	s10 =	simm.s32 $0xE;
	[sflag:s2] =	ssyncadd.s32 $0xFFFFE700  }
0x17: {  	_ =	swait.ge [sflag:s10], $0x1900  }
0x18: {  	[sflag:s10] =	ssyncset.done $0x0  }
0x19: {  	s12 =	simm.s32 $0xF;
	[sflag:s10] =	ssyncadd.s32 $0xFFFFE700  }
0x1a: {  	_ =	swait.ge [sflag:s12], $0x1900  }
0x1b: {  	[sflag:s12] =	ssyncset.done $0x0  }
0x1c: {  	s5 =	simm.s32 $0x10;
	[sflag:s12] =	ssyncadd.s32 $0xFFFFE700  }
0x1d: {  	_ =	swait.ge [sflag:s5], $0x1900  }
0x1e: {  	s4 =	sadd.s32 $0x1, s4;
	s14 =	rddreg [dreg:$0x5]  }
0x1f: {  	p0 =	sne.s32 s4, s14  }
.Ltmp1:
0x20: {  	_ = 	snop;
	(pc) =	sbr.rel @!p0 .LBB2_5-.Ltmp1, $3  }
0x21: {  	_ =	sdelay $0x1  }
0x22: {  	[sflag:s5] =	ssyncset.done $0x0  }
0x23: {  	[sflag:s5] =	ssyncadd.s32 $0xFFFFE700  }
.LBB2_1:
0x24: {  	s2 =	rddreg [dreg:$0x4];
	s7 =	simm.s32 $0x11  }
0x25: {  	[tilespmem:s3], [sflag:$0x11] =	stream.linear.gather [hbm4b:s2+s3], $0x4000, $0x38;
	[tilespmem:$0x12000] =	vst v63  }
0x26: {  	_ =	swait.ge [sflag:s7], $0x4000  }
0x27: {  	[sflag:s7] =	ssyncset.done $0x0  }
0x28: {  	[sflag:s7] =	ssyncadd.s32 $0xFFFFC000  }
0x29: {  	[tilespmem:s9], [sflag:$0x1] =	stream.indirect.gather [hbm4b:s1+s8], $0x80, s3, s8, $0xb8;
	[tilespmem:$0x12000] =	vst v63  }
0x2a: {  	s10 =	simm.s32 $0x80  }
0x2b: {  	[tilespmem:s11], [sflag:$0x2] =	stream.indirect.gather [hbm4b:s1+s8], $0x80, s10, s8, $0xb8;
	[tilespmem:$0x12000] =	vst v63  }
0x2c: {  	s12 =	simm.s32 $0x100  }
0x2d: {  	[tilespmem:s13], [sflag:$0x3] =	stream.indirect.gather [hbm4b:s1+s8], $0x80, s12, s8, $0xb8;
	[tilespmem:$0x12000] =	vst v63  }
0x2e: {  	s14 =	simm.s32 $0x180;
	s5 =	simm.s32 $0x0;
	s6 =	rddreg [dreg:$0x6]  }
0x2f: {  	[tilespmem:s15], [sflag:$0x4] =	stream.indirect.gather [hbm4b:s1+s8], $0x80, s14, s8, $0xb8;
	[tilespmem:$0x12000] =	vst v63  }
.LBB2_2:
0x30: {  	_ =	swait.ge [sflag:s16], $0x1900  }
0x31: {  	p0 =	seq.s32 s5, $0x0;
	[sflag:s16] =	ssyncset.done $0x0  }
0x32: {  	s2 =	simm.s32 @!p0 $0xD;
	[sflag:s16] =	ssyncadd.s32 $0xFFFFE700  }
0x33: {  	[hbm4b:s6+s3] =	stream.linear.scatter [tilespmem:s9], [sflag:$0x9], $0x1900, $0x38;
	[tilespmem:$0x12000] =	vst v63  }
0x34: {  	_ =	swait.ge @!p0 [sflag:s2], $0x1900  }
0x35: {  	s7 =	sshra.s32 s5, $0x2;
	[sflag:s2] =	ssyncset.done @!p0 $0x0  }
0x36: {  	s10 =	sadd.s32 $0x200, s7;
	[sflag:s2] =	ssyncadd.s32 @!p0 $0xFFFFE700  }
0x37: {  	[tilespmem:s17], [sflag:$0x5] =	stream.indirect.gather [hbm4b:s1+s8], $0x80, s10, s8, $0xb8;
	[tilespmem:$0x12000] =	vst v63  }
0x38: {  	_ =	swait.ge [sflag:s18], $0x1900  }
0x39: {  	[sflag:s18] =	ssyncset.done $0x0  }
0x3a: {  	s12 =	sadd.s32 $0x380, s6;
	s2 =	simm.s32 @!p0 $0xE;
	[sflag:s18] =	ssyncadd.s32 $0xFFFFE700  }
0x3b: {  	[hbm4b:s12+s3] =	stream.linear.scatter [tilespmem:s11], [sflag:$0xA], $0x1900, $0x38;
	[tilespmem:$0x12000] =	vst v63  }
0x3c: {  	_ =	swait.ge @!p0 [sflag:s2], $0x1900  }
0x3d: {  	[sflag:s2] =	ssyncset.done @!p0 $0x0  }
0x3e: {  	s14 =	sadd.s32 $0x280, s7;
	[sflag:s2] =	ssyncadd.s32 @!p0 $0xFFFFE700  }
0x3f: {  	[tilespmem:s19], [sflag:$0x6] =	stream.indirect.gather [hbm4b:s1+s8], $0x80, s14, s8, $0xb8;
	[tilespmem:$0x12000] =	vst v63  }
0x40: {  	_ =	swait.ge [sflag:s20], $0x1900  }
0x41: {  	[sflag:s20] =	ssyncset.done $0x0  }
0x42: {  	s10 =	sadd.s32 $0x700, s6;
	s2 =	simm.s32 @!p0 $0xF;
	[sflag:s20] =	ssyncadd.s32 $0xFFFFE700  }
0x43: {  	[hbm4b:s10+s3] =	stream.linear.scatter [tilespmem:s13], [sflag:$0xB], $0x1900, $0x38;
	[tilespmem:$0x12000] =	vst v63  }
0x44: {  	_ =	swait.ge @!p0 [sflag:s2], $0x1900  }
0x45: {  	[sflag:s2] =	ssyncset.done @!p0 $0x0  }
0x46: {  	s12 =	sadd.s32 $0x300, s7;
	[sflag:s2] =	ssyncadd.s32 @!p0 $0xFFFFE700  }
0x47: {  	[tilespmem:s21], [sflag:$0x7] =	stream.indirect.gather [hbm4b:s1+s8], $0x80, s12, s8, $0xb8;
	[tilespmem:$0x12000] =	vst v63  }
0x48: {  	_ =	swait.ge [sflag:s22], $0x1900  }
0x49: {  	[sflag:s22] =	ssyncset.done $0x0  }
0x4a: {  	s14 =	sadd.s32 $0xA80, s6;
	s2 =	simm.s32 @!p0 $0x10;
	[sflag:s22] =	ssyncadd.s32 $0xFFFFE700  }
0x4b: {  	[hbm4b:s14+s3] =	stream.linear.scatter [tilespmem:s15], [sflag:$0xC], $0x1900, $0x38;
	[tilespmem:$0x12000] =	vst v63  }
0x4c: {  	_ =	swait.ge @!p0 [sflag:s2], $0x1900  }
0x4d: {  	[sflag:s2] =	ssyncset.done @!p0 $0x0  }
0x4e: {  	s10 =	sadd.s32 $0x380, s7;
	[sflag:s2] =	ssyncadd.s32 @!p0 $0xFFFFE700  }
0x4f: {  	[tilespmem:s23], [sflag:$0x8] =	stream.indirect.gather [hbm4b:s1+s8], $0x80, s10, s8, $0xb8;
	[tilespmem:$0x12000] =	vst v63  }
0x50: {  	_ =	swait.ge [sflag:s24], $0x1900  }
0x51: {  	[sflag:s24] =	ssyncset.done $0x0  }
0x52: {  	s12 =	sadd.s32 $0xE00, s6;
	[sflag:s24] =	ssyncadd.s32 $0xFFFFE700  }
0x53: {  	[hbm4b:s12+s3] =	stream.linear.scatter [tilespmem:s17], [sflag:$0xD], $0x1900, $0x38;
	[tilespmem:$0x12000] =	vst v63  }
0x54: {  	p0 =	seq.s32 s5, $0xF000;
	_ =	swait.ge [sflag:s25], $0x1900  }
0x55: {  	s2 =	sshra.s32 @!p0 s5, $0x2;
	s14 =	simm.s32 @!p0 $0x4000;
	[sflag:s25] =	ssyncset.done $0x0  }
0x56: {  	s10 =	sadd.s32 @!p0 $0x400, s2;
	s12 =	simm.s32 @!p0 $0x32;
	[sflag:s25] =	ssyncadd.s32 $0xFFFFE700  }
0x57: {  	[tilespmem:s14], [sflag:$0x1] =	stream.indirect.gather @!p0 [hbm4b:s1+s12], $0x80, s10, s12, $0xb8;
	[tilespmem:$0x12000] =	vst v63  }
0x58: {  	_ =	swait.ge [sflag:s26], $0x1900  }
0x59: {  	[sflag:s26] =	ssyncset.done $0x0  }
0x5a: {  	s14 =	sadd.s32 $0x1180, s6;
	[sflag:s26] =	ssyncadd.s32 $0xFFFFE700  }
0x5b: {  	[hbm4b:s14+s3] =	stream.linear.scatter [tilespmem:s19], [sflag:$0xE], $0x1900, $0x38;
	[tilespmem:$0x12000] =	vst v63  }
0x5c: {  	_ =	swait.ge [sflag:s28], $0x1900  }
0x5d: {  	[sflag:s28] =	ssyncset.done $0x0  }
0x5e: {  	s10 =	sadd.s32 @!p0 $0x480, s2;
	s14 =	simm.s32 @!p0 $0x5C00;
	[sflag:s28] =	ssyncadd.s32 $0xFFFFE700  }
0x5f: {  	[tilespmem:s14], [sflag:$0x2] =	stream.indirect.gather @!p0 [hbm4b:s1+s12], $0x80, s10, s12, $0xb8;
	[tilespmem:$0x12000] =	vst v63  }
0x60: {  	_ =	swait.ge [sflag:s29], $0x1900  }
0x61: {  	[sflag:s29] =	ssyncset.done $0x0  }
0x62: {  	s14 =	sadd.s32 $0x1500, s6;
	[sflag:s29] =	ssyncadd.s32 $0xFFFFE700  }
0x63: {  	[hbm4b:s14+s3] =	stream.linear.scatter [tilespmem:s21], [sflag:$0xF], $0x1900, $0x38;
	[tilespmem:$0x12000] =	vst v63  }
0x64: {  	_ =	swait.ge [sflag:s30], $0x1900  }
0x65: {  	[sflag:s30] =	ssyncset.done $0x0  }
0x66: {  	s2 =	sadd.s32 @!p0 $0x500, s2;
	s10 =	simm.s32 @!p0 $0x7800;
	[sflag:s30] =	ssyncadd.s32 $0xFFFFE700  }
0x67: {  	[tilespmem:s10], [sflag:$0x3] =	stream.indirect.gather @!p0 [hbm4b:s1+s12], $0x80, s2, s12, $0xb8;
	[tilespmem:$0x12000] =	vst v63  }
0x68: {  	_ =	swait.ge [sflag:s31], $0x1900  }
0x69: {  	[sflag:s31] =	ssyncset.done $0x0  }
.Ltmp2:
0x6a: {  	s14 =	sadd.s32 $0x1880, s6;
	[sflag:s31] =	ssyncadd.s32 $0xFFFFE700;
	(pc) =	sbr.rel @p0 .LBB2_4-.Ltmp2, $4  }
0x6b: {  	[hbm4b:s14+s3] =	stream.linear.scatter [tilespmem:s23], [sflag:$0x10], $0x1900, $0x38;
	[tilespmem:$0x12000] =	vst v63  }
0x6c: {  	_ =	swait.ge [sflag:s0], $0x1900  }
0x6d: {  	[sflag:s0] =	ssyncset.done $0x0  }
0x6e: {  	[sflag:s0] =	ssyncadd.s32 $0xFFFFE700  }
.Ltmp3:
0x6f: {  	(pc) =	sbr.rel .LBB2_2-.Ltmp3, $3  }
0x70: {  	_ =	sdelay $0x1  }
0x71: {  	s2 =	sadd.s32 $0x580, s7;
	s5 =	sadd.s32 $0x1000, s5;
	s6 =	sadd.s32 $0x1C00, s6  }
0x72: {  	[tilespmem:s15], [sflag:$0x4] =	stream.indirect.gather [hbm4b:s1+s8], $0x80, s2, s8, $0xb8;
	[tilespmem:$0x12000] =	vst v63  }
.LBB2_5:
0x73: {  	_ =	sfence.sel $0x180000  }
0x74: {  	[bflag:$0x0] =	sbarrier.arrive $0xFFFF  }
0x75: {  	_ =	strace $0x90000047  }
0x76: {  	s0 =	stileid.u32;
	[bflag:$0x2] =	sbarrier.arrive $0xFFFF  }
0x77: {  	p0 =	sne.s32 s0, $0x0;
	s0 =	rddreg [dreg:$0x3]  }
0x78: {  	s0 =	sadd.s32 @!p0 $0x100000, s0  }
0x79: {  	[sflag:s0] =	ssyncadd.tile.s32 @!p0 $0x1;
	_ =	shalt  }
.Lfunc_end2:
_tile_overlayer_lowered:
.L_overlay_start_2:
0x7a: {  	(tag) =	ssettag $0x2  }
0x7b: {  	s0 =	rddreg [dreg:$0x0];
	s2 =	stileid.u32  }
0x7c: {  	s1 =	rddreg [dreg:$0x1];
	p0 =	sne.s32 s2, $0x0  }
0x7d: {  	s3 =	rddreg [dreg:$0x2];
	[bflag:$0x3] =	sbarrier.arrive $0xFFFF;
	s2 =	simm.s32 @!p0 $0x1C11  }
0x7e: {  	[timem:s3], [sflag:s2] =	dma.local @!p0 [hbm:s0], s1  }
0x7f: {  	s0 =	simm.s32 @!p0 $0x11  }
0x80: {  	_ =	swait.ge @!p0 [sflag:s0], s1  }
0x81: {  	s1 =	ssub.s32 @!p0 $0x0, s1;
	[sflag:s0] =	ssyncset.done @!p0 $0x0  }
0x82: {  	[sflag:s0] =	ssyncadd.s32 @!p0 s1  }
0x83: {  	[bflag:$0x3] =	sbarrier.arrive $0xFFFF  }
0x84: {  	_ =	shalt  }

</sc_bundles>
